<compile_context>
chip_gen: v7x
topology: tpu7x:2x2x1
jax: 0.10.2.dev20260603
libtpu: 0.0.44.dev20260713+nightly
codegen_flags: <defaults>
</compile_context>

<pallas_src>
import functools

import jax
import jax.numpy as jnp
from jax import lax
from jax.experimental import pallas as pl
from jax.experimental.pallas import tpu as pltpu

B, N, S, K, D = 16, 2048, 512, 24, 128


def _rtne_bf16(x):
    b = lax.bitcast_convert_type(x, jnp.uint32)
    r = (b + 0x7FFF + ((b >> 16) & 1)) & jnp.uint32(0xFFFF0000)
    return lax.bitcast_convert_type(r, jnp.float32)



def _fps_kernel(xyzT_ref, idx_ref, xyzs_ref):
    X = xyzT_ref[0]
    Y = xyzT_ref[1]
    Z = xyzT_ref[2]
    lane = lax.broadcasted_iota(jnp.int32, (B, N), 1)
    lane_s = lax.broadcasted_iota(jnp.int32, (B, S), 1)
    row_s = lax.broadcasted_iota(jnp.int32, (B, S), 0)
    key = row_s * 1024 + lane_s

    def body(i, st):
        dist, far, idxacc, sx, sy, sz = st
        m = lane == far
        cx = jnp.sum(jnp.where(m, X, 0.0), axis=1, keepdims=True)
        cy = jnp.sum(jnp.where(m, Y, 0.0), axis=1, keepdims=True)
        cz = jnp.sum(jnp.where(m, Z, 0.0), axis=1, keepdims=True)
        sel = key == row_s * 1024 + i
        idxacc = jnp.where(sel, jnp.broadcast_to(far, (B, S)), idxacc)
        sx = jnp.where(sel, jnp.broadcast_to(cx, (B, S)), sx)
        sy = jnp.where(sel, jnp.broadcast_to(cy, (B, S)), sy)
        sz = jnp.where(sel, jnp.broadcast_to(cz, (B, S)), sz)
        dx = X - cx
        dy = Y - cy
        dz = Z - cz
        d = dx * dx + dy * dy + dz * dz
        dist = jnp.minimum(dist, d)
        mx = jnp.max(dist, axis=1, keepdims=True)
        far = jnp.min(jnp.where(dist == mx, lane, N), axis=1, keepdims=True)
        return dist, far, idxacc, sx, sy, sz

    init = (jnp.full((B, N), 1e10, jnp.float32),
            jnp.zeros((B, 1), jnp.int32),
            jnp.zeros((B, S), jnp.int32),
            jnp.zeros((B, S), jnp.float32),
            jnp.zeros((B, S), jnp.float32),
            jnp.zeros((B, S), jnp.float32))
    _, _, idxacc, sx, sy, sz = lax.fori_loop(0, S, body, init)
    idx_ref[...] = idxacc
    xyzs_ref[0] = sx
    xyzs_ref[1] = sy
    xyzs_ref[2] = sz


def _run_fps(xyzT):
    return pl.pallas_call(
        _fps_kernel,
        out_shape=[jax.ShapeDtypeStruct((B, S), jnp.int32),
                   jax.ShapeDtypeStruct((3, B, S), jnp.float32)],
        in_specs=[pl.BlockSpec((3, B, N), lambda: (0, 0, 0))],
        out_specs=[pl.BlockSpec((B, S), lambda: (0, 0)),
                   pl.BlockSpec((3, B, S), lambda: (0, 0, 0))],
    )(xyzT)



_RT = 128


def _knn_kernel(xyzT_ref, xyzs_ref, qn_ref, idx_ref):
    p = xyzT_ref[0]
    X = p[0:1, :]
    Y = p[1:2, :]
    Z = p[2:3, :]
    q = xyzs_ref[0]
    qx = q[:, 0:1]
    qy = q[:, 1:2]
    qz = q[:, 2:3]
    pn = X * X + Y * Y + Z * Z
    qn = qn_ref[0]
    dot = (_rtne_bf16(qx) * _rtne_bf16(X)
           + _rtne_bf16(qy) * _rtne_bf16(Y)
           + _rtne_bf16(qz) * _rtne_bf16(Z))
    Dm = (qn + pn) - 2.0 * dot
    lane = lax.broadcasted_iota(jnp.int32, (_RT, N), 1)
    k_iota = lax.broadcasted_iota(jnp.int32, (_RT, K), 1)

    def body(k, st):
        Dc, acc = st
        mn = jnp.min(Dc, axis=1, keepdims=True)
        cand = jnp.where(Dc <= mn, lane, N)
        j = jnp.min(cand, axis=1, keepdims=True)
        acc = jnp.where(k_iota == k, j, acc)
        Dc = jnp.where(lane == j, jnp.float32(1e30), Dc)
        return Dc, acc

    _, acc = lax.fori_loop(0, K, body, (Dm, jnp.zeros((_RT, K), jnp.int32)))
    idx_ref[0] = acc


def _run_knn(xyzTb, xyz_sampled, qn):
    grid = (B, S // _RT)
    return pl.pallas_call(
        _knn_kernel,
        grid=grid,
        out_shape=jax.ShapeDtypeStruct((B, S, K), jnp.int32),
        in_specs=[pl.BlockSpec((1, 3, N), lambda b, t: (b, 0, 0)),
                  pl.BlockSpec((1, _RT, 3), lambda b, t: (b, t, 0)),
                  pl.BlockSpec((1, _RT, 1), lambda b, t: (b, t, 0))],
        out_specs=pl.BlockSpec((1, _RT, K), lambda b, t: (b, t, 0)),
    )(xyzTb, xyz_sampled, qn)



from jax.experimental.pallas import tpu_sc as plsc

_SB = 256
_G = 4
_NG = _SB // _G
_MF = B * S * K * D
_MX = B * S * K * 3


def _sc_gather(feat2d, xyz128, idxk, fpsk):
    mesh = plsc.VectorSubcoreMesh(core_axis_name="c", subcore_axis_name="s")

    @functools.partial(
        pl.kernel, mesh=mesh,
        out_type=[jax.ShapeDtypeStruct((B * S * K * D,), jnp.float32),
                  jax.ShapeDtypeStruct((B * S, D), jnp.float32),
                  jax.ShapeDtypeStruct((B * S * K, 16), jnp.float32),
                  jax.ShapeDtypeStruct((32, 4, 16), jnp.float32)],
        scratch_types=[pltpu.VMEM((_SB * K,), jnp.int32),
                       pltpu.VMEM((_SB,), jnp.int32),
                       pltpu.VMEM((_SB, D), jnp.float32),
                       pltpu.VMEM((_SB, D), jnp.float32),
                       pltpu.VMEM((_G * K, D), jnp.float32),
                       pltpu.VMEM((_G * K, D), jnp.float32),
                       pltpu.VMEM((_G * K * D,), jnp.float32),
                       pltpu.VMEM((_G * K, 16), jnp.float32),
                       pltpu.VMEM((4, 16), jnp.float32),
                       pltpu.SemaphoreType.DMA,
                       pltpu.SemaphoreType.DMA],
    )
    def k(feat_hbm, xyz_hbm, idxk_hbm, fps_hbm,
          fdiff_hbm, fsamp_hbm, xdiff_hbm, stats_hbm,
          idxg_v, fpsg_v, cent_v, xcent_v, rows_v, xrow_v, dst_v, xdst_v,
          stat_v, sem, sem2):
        wid = lax.axis_index("s") * 2 + lax.axis_index("c")
        base = wid * _SB
        b = wid // 2
        boff = b * N

        pltpu.sync_copy(idxk_hbm.at[pl.ds(base * K, _SB * K)], idxg_v)
        pltpu.sync_copy(fps_hbm.at[pl.ds(base, _SB)], fpsg_v)

        def to_global(i, _):
            v = fpsg_v[pl.ds(i * 16, 16)]
            fpsg_v[pl.ds(i * 16, 16)] = v + boff
            return 0
        lax.fori_loop(0, _SB // 16, to_global, 0)

        def to_global2(i, _):
            v = idxg_v[pl.ds(i * 16, 16)]
            idxg_v[pl.ds(i * 16, 16)] = v + boff
            return 0
        lax.fori_loop(0, _SB * K // 16, to_global2, 0)

        pltpu.async_copy(feat_hbm.at[fpsg_v.at[pl.ds(0, 128)]],
                         cent_v.at[pl.ds(0, 128)], sem).wait()
        pltpu.async_copy(feat_hbm.at[fpsg_v.at[pl.ds(128, 128)]],
                         cent_v.at[pl.ds(128, 128)], sem).wait()
        pltpu.async_copy(xyz_hbm.at[fpsg_v.at[pl.ds(0, 128)]],
                         xcent_v.at[pl.ds(0, 128)], sem).wait()
        pltpu.async_copy(xyz_hbm.at[fpsg_v.at[pl.ds(128, 128)]],
                         xcent_v.at[pl.ds(128, 128)], sem).wait()
        pltpu.sync_copy(cent_v, fsamp_hbm.at[pl.ds(base, _SB)])

        def group(g, acc):
            acc_s, acc_q, xac_s, xac_q = acc
            pltpu.async_copy(
                feat_hbm.at[idxg_v.at[pl.ds(g * (_G * K), _G * K)]],
                rows_v, sem)
            pltpu.async_copy(
                xyz_hbm.at[idxg_v.at[pl.ds(g * (_G * K), _G * K)]],
                xrow_v, sem2)
            pltpu.make_async_copy(
                feat_hbm.at[idxg_v.at[pl.ds(g * (_G * K), _G * K)]],
                rows_v, sem).wait()
            pltpu.make_async_copy(
                xyz_hbm.at[idxg_v.at[pl.ds(g * (_G * K), _G * K)]],
                xrow_v, sem2).wait()

            def row(r, acc2):
                a_s, a_q, x_s, x_q = acc2
                t = r // K
                samp = g * _G + t
                rbase = r * D
                for c in range(D // 16):
                    ct = cent_v[samp, pl.ds(c * 16, 16)]
                    rv = rows_v[r, pl.ds(c * 16, 16)]
                    dv = rv - ct
                    dst_v[pl.ds(rbase + c * 16, 16)] = dv
                    a_s = a_s + dv
                    a_q = a_q + dv * dv
                xd = (xrow_v[r, pl.ds(0, 16)]
                      - xcent_v[samp, pl.ds(0, 16)])
                xdst_v[r, pl.ds(0, 16)] = xd
                x_s = x_s + xd
                x_q = x_q + xd * xd
                return a_s, a_q, x_s, x_q

            acc = lax.fori_loop(0, _G * K, row, (acc_s, acc_q, xac_s, xac_q))
            pltpu.sync_copy(dst_v,
                            fdiff_hbm.at[pl.ds((base + g * _G) * K * D,
                                               _G * K * D)])
            pltpu.sync_copy(xdst_v,
                            xdiff_hbm.at[pl.ds((base + g * _G) * K, _G * K)])
            return acc

        zero = jnp.zeros((16,), jnp.float32)
        acc_s, acc_q, xac_s, xac_q = lax.fori_loop(
            0, _NG, group, (zero, zero, zero, zero))

        stat_v[0] = acc_s
        stat_v[1] = acc_q
        stat_v[2] = xac_s
        stat_v[3] = xac_q
        pltpu.sync_copy(stat_v, stats_hbm.at[wid])

    return k(feat2d, xyz128, idxk, fpsk)



_ST = 64


def _fin_kernel(fdiff_ref, fsamp_ref, xdiff_ref, stats_ref, fout_ref,
                xout_ref):
    st = stats_ref[...]
    fs = jnp.sum(st[:, 0, :])
    fq = jnp.sum(st[:, 1, :])
    xs = jnp.sum(st[:, 2, :])
    xq = jnp.sum(st[:, 3, :])
    fstd = jnp.sqrt((fq - fs * fs / _MF) / (_MF - 1))
    xstd = jnp.sqrt((xq - xs * xs / _MX) / (_MX - 1))
    fout_ref[0, :, :, 0:D] = fdiff_ref[0] / (fstd + 1e-05)
    rep = jnp.broadcast_to(fsamp_ref[0][:, None, :], (_ST, K, D))
    fout_ref[0, :, :, D:2 * D] = rep
    xout_ref[0] = xdiff_ref[0][:, :, 0:3] / (xstd + 1e-05)


def _run_finalize(fdiff, fsamp, xdiff, stats):
    grid = (B, S // _ST)
    return pl.pallas_call(
        _fin_kernel,
        grid=grid,
        out_shape=[jax.ShapeDtypeStruct((B, S, K, 2 * D), jnp.float32),
                   jax.ShapeDtypeStruct((B, S, K, 3), jnp.float32)],
        in_specs=[pl.BlockSpec((1, _ST, K, D), lambda b, t: (b, t, 0, 0)),
                  pl.BlockSpec((1, _ST, D), lambda b, t: (b, t, 0)),
                  pl.BlockSpec((1, _ST, K, 16), lambda b, t: (b, t, 0, 0)),
                  pl.BlockSpec((32, 4, 16), lambda b, t: (0, 0, 0))],
        out_specs=[pl.BlockSpec((1, _ST, K, 2 * D), lambda b, t: (b, t, 0, 0)),
                   pl.BlockSpec((1, _ST, K, 3), lambda b, t: (b, t, 0, 0))],
    )(fdiff, fsamp, xdiff, stats)


def kernel(xyz, feat):
    xyzT = jnp.transpose(xyz, (2, 0, 1))
    fps_idx, xyz_sT = _run_fps(xyzT)
    xyz_sampled = jnp.transpose(xyz_sT, (1, 2, 0))
    xyzTb = jnp.transpose(xyz, (0, 2, 1))
    qn = jnp.sum(xyz_sampled ** 2, axis=-1)[..., None]
    idx_knn = _run_knn(xyzTb, xyz_sampled, qn)

    feat2d = feat.reshape(B * N, D)
    xyz128 = jnp.pad(xyz, ((0, 0), (0, 0), (0, D - 3))).reshape(B * N, D)
    idxk = idx_knn.reshape(-1)
    fpsk = fps_idx.reshape(-1)
    fdiff, fsamp, xdiff, stats = _sc_gather(feat2d, xyz128, idxk, fpsk)
    feat_sampled = fsamp.reshape(B, S, D)
    fdiff = fdiff.reshape(B, S, K, D)
    xdiff = xdiff.reshape(B, S, K, 16)
    feat_knn, xyz_knn = _run_finalize(fdiff, feat_sampled, xdiff, stats)
    return (xyz_sampled, feat_sampled, xyz_knn, feat_knn)

# --- scband reference (transcript-rebuilt; emitter-appended) ---
"""Pipeline reference for scband-local-grouper-21397527069088 (READ-ONLY COPY).

The authoritative reference and input builder live on the scoring server;
editing this copy changes nothing except your own understanding.
"""

import jax, jax.numpy as jnp
import numpy as np

STAGE_POINTS = 512
K = 24


def farthest_point_sample(xyz, npoint):
    B, N, _ = xyz.shape
    def body(i, state):
        centroids, distance, farthest = state
        centroids = centroids.at[:, i].set(farthest)
        centroid = xyz[jnp.arange(B), farthest]  # [B, 3]
        dist = jnp.sum((xyz - centroid[:, None, :]) ** 2, axis=-1)
        distance = jnp.minimum(distance, dist)
        farthest = jnp.argmax(distance, axis=-1).astype(jnp.int32)
        return centroids, distance, farthest
    centroids = jnp.zeros((B, npoint), dtype=jnp.int32)
    distance = jnp.full((B, N), 1e10, dtype=xyz.dtype)
    farthest = jnp.zeros((B,), dtype=jnp.int32)
    centroids, _, _ = jax.lax.fori_loop(0, npoint, body, (centroids, distance, farthest))
    return centroids


def index_points(points, idx):
    B = points.shape[0]
    batch_shape = (B,) + (1,) * (idx.ndim - 1)
    batch_idx = jnp.arange(B).reshape(batch_shape)
    return points[batch_idx, idx]


def square_distance(src, dst):
    return (jnp.sum(src ** 2, axis=-1)[:, :, None]
            + jnp.sum(dst ** 2, axis=-1)[:, None, :]
            - 2.0 * jnp.matmul(src, jnp.swapaxes(dst, 1, 2)))


def knn_point(k, xyz, new_xyz):
    sqrdists = square_distance(new_xyz, xyz)  # [B, S, N]
    _, idx = jax.lax.top_k(-sqrdists, k)
    return idx


def setup_inputs(seed: int = 0):
    key = jax.random.key(seed)
    k1, k2 = jax.random.split(key)
    xyz = jax.random.uniform(k1, (16, 2048, 3), dtype=jnp.float32)
    feat = jax.random.normal(k2, (16, 2048, 128), dtype=jnp.float32)
    return {"xyz": xyz, "feat": feat}


def reference(xyz, feat):
    fps_idx = farthest_point_sample(xyz, STAGE_POINTS)
    xyz_sampled = index_points(xyz, fps_idx)
    feat_sampled = index_points(feat, fps_idx)
    idx_knn = knn_point(K, xyz, xyz_sampled)
    xyz_knn = index_points(xyz, idx_knn)
    feat_knn = index_points(feat, idx_knn)
    xyz_center = xyz_sampled[:, :, None, :]
    xyz_std = jnp.std(xyz_knn - xyz_center, ddof=1)
    xyz_knn = (xyz_knn - xyz_center) / (xyz_std + 1e-05)
    feat_center = feat_sampled[:, :, None, :]
    feat_std = jnp.std(feat_knn - feat_center, ddof=1)
    feat_knn = (feat_knn - feat_center) / (feat_std + 1e-05)
    b, s, k, d = feat_knn.shape
    rep = jnp.broadcast_to(feat_sampled.reshape(b, s, 1, -1), (b, s, k, feat_sampled.shape[-1]))
    feat_knn = jnp.concatenate([feat_knn, rep], axis=-1)
    return (xyz_sampled, feat_sampled, xyz_knn, feat_knn)

if __name__ == "__main__":
    import jax
    _d = setup_inputs()
    print(jax.jit(kernel)(*tuple(_d.values())))

</pallas_src>

<mosaic_0001>
#map = affine_map<(d0, d1) -> (0, 0)>
#map1 = affine_map<(d0, d1) -> (0)>
#map2 = affine_map<(d0, d1) -> (0, 0, 0)>
module attributes {stable_mosaic.version = 14 : i64} {
  func.func @k(%arg0: i32, %arg1: i32, %arg2: memref<32768x128xf32, #tpu.memory_space<hbm>>, %arg3: memref<32768x128xf32, #tpu.memory_space<hbm>>, %arg4: memref<196608xi32, #tpu.memory_space<hbm>>, %arg5: memref<8192xi32, #tpu.memory_space<hbm>>, %arg6: memref<25165824xf32, #tpu.memory_space<hbm>>, %arg7: memref<8192x128xf32, #tpu.memory_space<hbm>>, %arg8: memref<196608x16xf32, #tpu.memory_space<hbm>>, %arg9: memref<32x4x16xf32, #tpu.memory_space<hbm>>, %arg10: memref<6144xi32, #tpu.memory_space<vmem>>, %arg11: memref<256xi32, #tpu.memory_space<vmem>>, %arg12: memref<256x128xf32, #tpu.memory_space<vmem>>, %arg13: memref<256x128xf32, #tpu.memory_space<vmem>>, %arg14: memref<96x128xf32, #tpu.memory_space<vmem>>, %arg15: memref<96x128xf32, #tpu.memory_space<vmem>>, %arg16: memref<12288xf32, #tpu.memory_space<vmem>>, %arg17: memref<96x16xf32, #tpu.memory_space<vmem>>, %arg18: memref<4x16xf32, #tpu.memory_space<vmem>>, %arg19: memref<!tpu.dma_semaphore, #tpu.memory_space<semaphore_mem>>, %arg20: memref<!tpu.dma_semaphore, #tpu.memory_space<semaphore_mem>>) attributes {dimension_semantics = [#tpu.dimension_semantics<core_parallel>, #tpu.dimension_semantics<subcore_parallel>], iteration_bounds = array<i64: 2, 16>, scalar_prefetch = 0 : i64, scratch_operands = 11 : i64, tpu.core_type = #tpu.core_type<sc_vector_subcore>, window_params = [{transform_indices = #map}, {transform_indices = #map}, {transform_indices = #map1}, {transform_indices = #map1}, {transform_indices = #map1}, {transform_indices = #map}, {transform_indices = #map}, {transform_indices = #map2}]} {
    %mul3A = arith.constant 2 : i32
    %mul3A_0 = arith.muli %arg1, %mul3A : i32
    %add3A = arith.addi %mul3A_0, %arg0 : i32
    %mul3A_1 = arith.constant 256 : i32
    %mul3A_2 = arith.muli %add3A, %mul3A_1 : i32
    %jit3A = arith.constant 2 : i32
    %div3A = arith.divsi %add3A, %jit3A : i32
    %sign3A = arith.constant 0 : i32
    %sign3A_3 = arith.cmpi sgt, %add3A, %sign3A : i32
    %sign3A_4 = arith.extui %sign3A_3 : i1 to i32
    %sign3A_5 = arith.constant 0 : i32
    %sign3A_6 = arith.cmpi slt, %add3A, %sign3A_5 : i32
    %sign3A_7 = arith.extui %sign3A_6 : i1 to i32
    %sign3A_8 = arith.subi %sign3A_4, %sign3A_7 : i32
    %sign3A_9 = arith.constant 0 : i32
    %sign3A_10 = arith.cmpi sgt, %jit3A, %sign3A_9 : i32
    %sign3A_11 = arith.extui %sign3A_10 : i1 to i32
    %sign3A_12 = arith.constant 0 : i32
    %sign3A_13 = arith.cmpi slt, %jit3A, %sign3A_12 : i32
    %sign3A_14 = arith.extui %sign3A_13 : i1 to i32
    %sign3A_15 = arith.subi %sign3A_11, %sign3A_14 : i32
    %ne3A = arith.cmpi ne, %sign3A_8, %sign3A_15 : i32
    %rem3A = arith.remsi %add3A, %jit3A : i32
    %ne3A_16 = arith.constant 0 : i32
    %ne3A_17 = arith.cmpi ne, %rem3A, %ne3A_16 : i32
    %and3A = arith.andi %ne3A, %ne3A_17 : i1
    %sub3A = arith.constant 1 : i32
    %sub3A_18 = arith.subi %div3A, %sub3A : i32
    %select_n3A = arith.select %and3A, %sub3A_18, %div3A : i32
    %mul3A_19 = arith.constant 2048 : i32
    %mul3A_20 = arith.muli %select_n3A, %mul3A_19 : i32
    %mul3A_21 = arith.constant 24 : i32
    %mul3A_22 = arith.muli %mul3A_2, %mul3A_21 : i32
    "tpu.region"() ({
      %run_scoped3A = tpu.sem_alloc : memref<!tpu.dma_semaphore, #tpu.memory_space<semaphore_mem>>
      %dma_start3A_128 = tpu.memref_slice %arg4[%mul3A_22] : memref<196608xi32, #tpu.memory_space<hbm>> -> memref<6144xi32, #tpu.memory_space<hbm>>
      %dma_start3A_129 = tpu.memref_slice %arg4[%mul3A_22] : memref<196608xi32, #tpu.memory_space<hbm>> -> memref<6144xi32, #tpu.memory_space<hbm>>
      tpu.enqueue_dma source(%dma_start3A_129 : memref<6144xi32, #tpu.memory_space<hbm>>) target(%arg10 : memref<6144xi32, #tpu.memory_space<vmem>>) target_semaphore(%run_scoped3A : memref<!tpu.dma_semaphore, #tpu.memory_space<semaphore_mem>>)
      %dma_wait3A_130 = tpu.memref_slice %arg4[%mul3A_22] : memref<196608xi32, #tpu.memory_space<hbm>> -> memref<6144xi32, #tpu.memory_space<hbm>>
      %dma_wait3A_131 = tpu.memref_slice %arg4[%mul3A_22] : memref<196608xi32, #tpu.memory_space<hbm>> -> memref<6144xi32, #tpu.memory_space<hbm>>
      tpu.wait_dma2 semaphore(%run_scoped3A : memref<!tpu.dma_semaphore, #tpu.memory_space<semaphore_mem>>) src(%dma_wait3A_131 : memref<6144xi32, #tpu.memory_space<hbm>>) dst(%arg10 : memref<6144xi32, #tpu.memory_space<vmem>>)
      tpu.yield
    }) : () -> ()
    "tpu.region"() ({
      %run_scoped3A = tpu.sem_alloc : memref<!tpu.dma_semaphore, #tpu.memory_space<semaphore_mem>>
      %dma_start3A_128 = tpu.memref_slice %arg5[%mul3A_2] : memref<8192xi32, #tpu.memory_space<hbm>> -> memref<256xi32, #tpu.memory_space<hbm>>
      %dma_start3A_129 = tpu.memref_slice %arg5[%mul3A_2] : memref<8192xi32, #tpu.memory_space<hbm>> -> memref<256xi32, #tpu.memory_space<hbm>>
      tpu.enqueue_dma source(%dma_start3A_129 : memref<256xi32, #tpu.memory_space<hbm>>) target(%arg11 : memref<256xi32, #tpu.memory_space<vmem>>) target_semaphore(%run_scoped3A : memref<!tpu.dma_semaphore, #tpu.memory_space<semaphore_mem>>)
      %dma_wait3A_130 = tpu.memref_slice %arg5[%mul3A_2] : memref<8192xi32, #tpu.memory_space<hbm>> -> memref<256xi32, #tpu.memory_space<hbm>>
      %dma_wait3A_131 = tpu.memref_slice %arg5[%mul3A_2] : memref<8192xi32, #tpu.memory_space<hbm>> -> memref<256xi32, #tpu.memory_space<hbm>>
      tpu.wait_dma2 semaphore(%run_scoped3A : memref<!tpu.dma_semaphore, #tpu.memory_space<semaphore_mem>>) src(%dma_wait3A_131 : memref<256xi32, #tpu.memory_space<hbm>>) dst(%arg11 : memref<256xi32, #tpu.memory_space<vmem>>)
      tpu.yield
    }) : () -> ()
    %scan3A = arith.constant 0 : i32
    %scan3A_23 = arith.constant 0 : i32
    %scan3A_24 = arith.constant 16 : i32
    %scan3A_25 = arith.addi %scan3A_23, %scan3A_24 : i32
    %scan3A_26 = arith.constant 1 : i32
    %scan3A_27 = scf.for %scan3A_128 = %scan3A_23 to %scan3A_25 step %scan3A_26 iter_args(%scan3A_129 = %scan3A) -> (i32)  : i32 {
      %mul3A_130 = arith.constant 16 : i32
      %mul3A_131 = arith.muli %scan3A_128, %mul3A_130 : i32
      %get3A = arith.index_cast %mul3A_131 : i32 to index
      %get3A_132 = tpu.vector_load %arg11[%get3A] {strides = array<i32>} : memref<256xi32, #tpu.memory_space<vmem>>, vector<16xi32>,
      %get3A_133 = vector.shape_cast %get3A_132 : vector<16xi32> to vector<16xi32>
      %add3A_134 = vector.broadcast %mul3A_20 : i32 to vector<16xi32>
      %add3A_135 = arith.addi %get3A_133, %add3A_134 : vector<16xi32>
      %mul3A_136 = arith.constant 16 : i32
      %mul3A_137 = arith.muli %scan3A_128, %mul3A_136 : i32
      %swap3A_138 = arith.index_cast %mul3A_137 : i32 to index
      %swap3A_139 = tpu.vector_load %arg11[%swap3A_138] {strides = array<i32>} : memref<256xi32, #tpu.memory_space<vmem>>, vector<16xi32>,
      %swap3A_140 = vector.shape_cast %swap3A_139 : vector<16xi32> to vector<16xi32>
      %swap3A_141 = vector.shape_cast %add3A_135 : vector<16xi32> to vector<16xi32>
      tpu.vector_store %arg11[%swap3A_138], %swap3A_141 {strides = array<i32>} : memref<256xi32, #tpu.memory_space<vmem>>, vector<16xi32>,
      %scan3A_142 = arith.constant 0 : i32
      scf.yield %scan3A_142 : i32
    }
    %scan3A_28 = arith.constant 16 : i32
    %scan3A_29 = arith.constant 0 : i32
    %scan3A_30 = arith.constant 0 : i32
    %scan3A_31 = arith.constant 384 : i32
    %scan3A_32 = arith.addi %scan3A_30, %scan3A_31 : i32
    %scan3A_33 = arith.constant 1 : i32
    %scan3A_34 = scf.for %scan3A_128 = %scan3A_30 to %scan3A_32 step %scan3A_33 iter_args(%scan3A_129 = %scan3A_29) -> (i32)  : i32 {
      %mul3A_130 = arith.constant 16 : i32
      %mul3A_131 = arith.muli %scan3A_128, %mul3A_130 : i32
      %get3A = arith.index_cast %mul3A_131 : i32 to index
      %get3A_132 = tpu.vector_load %arg10[%get3A] {strides = array<i32>} : memref<6144xi32, #tpu.memory_space<vmem>>, vector<16xi32>,
      %get3A_133 = vector.shape_cast %get3A_132 : vector<16xi32> to vector<16xi32>
      %add3A_134 = vector.broadcast %mul3A_20 : i32 to vector<16xi32>
      %add3A_135 = arith.addi %get3A_133, %add3A_134 : vector<16xi32>
      %mul3A_136 = arith.constant 16 : i32
      %mul3A_137 = arith.muli %scan3A_128, %mul3A_136 : i32
      %swap3A_138 = arith.index_cast %mul3A_137 : i32 to index
      %swap3A_139 = tpu.vector_load %arg10[%swap3A_138] {strides = array<i32>} : memref<6144xi32, #tpu.memory_space<vmem>>, vector<16xi32>,
      %swap3A_140 = vector.shape_cast %swap3A_139 : vector<16xi32> to vector<16xi32>
      %swap3A_141 = vector.shape_cast %add3A_135 : vector<16xi32> to vector<16xi32>
      tpu.vector_store %arg10[%swap3A_138], %swap3A_141 {strides = array<i32>} : memref<6144xi32, #tpu.memory_space<vmem>>, vector<16xi32>,
      %scan3A_142 = arith.constant 0 : i32
      scf.yield %scan3A_142 : i32
    }
    %scan3A_35 = arith.constant 384 : i32
    %dma_start3A = arith.constant 0 : i32
    %dma_start3A_36 = arith.constant 0 : i32
    %dma_start3A_37 = tpu.memref_slice %arg12[%dma_start3A, %dma_start3A_36] : memref<256x128xf32, #tpu.memory_space<vmem>> -> memref<128x128xf32, #tpu.memory_space<vmem>>
    %dma_start3A_38 = arith.constant 0 : i32
    %dma_start3A_39 = tpu.memref_slice %arg11[%dma_start3A_38] : memref<256xi32, #tpu.memory_space<vmem>> -> memref<128xi32, #tpu.memory_space<vmem>>
    %dma_start3A_40 = arith.constant 0 : i32
    %dma_start3A_41 = arith.constant 0 : i32
    %dma_start3A_42 = tpu.memref_slice %arg2[%dma_start3A_40, %dma_start3A_41] : memref<32768x128xf32, #tpu.memory_space<hbm>> -> memref<32768x128xf32, #tpu.memory_space<hbm>>
    tpu.enqueue_indirect_dma source(%dma_start3A_42 : memref<32768x128xf32, #tpu.memory_space<hbm>>) target(%dma_start3A_37 : memref<128x128xf32, #tpu.memory_space<vmem>>) offsets(%dma_start3A_39 : memref<128xi32, #tpu.memory_space<vmem>>) semaphore(%arg19 : memref<!tpu.dma_semaphore, #tpu.memory_space<semaphore_mem>>)
    %dma_wait3A = arith.constant 0 : i32
    %dma_wait3A_43 = arith.constant 0 : i32
    %dma_wait3A_44 = tpu.memref_slice %arg12[%dma_wait3A, %dma_wait3A_43] : memref<256x128xf32, #tpu.memory_space<vmem>> -> memref<128x128xf32, #tpu.memory_space<vmem>>
    %dma_wait3A_45 = arith.constant 0 : i32
    %dma_wait3A_46 = tpu.memref_slice %arg11[%dma_wait3A_45] : memref<256xi32, #tpu.memory_space<vmem>> -> memref<128xi32, #tpu.memory_space<vmem>>
    %dma_wait3A_47 = arith.constant 0 : i32
    %dma_wait3A_48 = arith.constant 0 : i32
    %dma_wait3A_49 = tpu.memref_slice %arg2[%dma_wait3A_47, %dma_wait3A_48] : memref<32768x128xf32, #tpu.memory_space<hbm>> -> memref<32768x128xf32, #tpu.memory_space<hbm>>
    tpu.wait_indirect_dma semaphore(%arg19 : memref<!tpu.dma_semaphore, #tpu.memory_space<semaphore_mem>>) src(%dma_wait3A_49 : memref<32768x128xf32, #tpu.memory_space<hbm>>) dst(%dma_wait3A_44 : memref<128x128xf32, #tpu.memory_space<vmem>>)
    %dma_start3A_50 = arith.constant 128 : i32
    %dma_start3A_51 = arith.constant 0 : i32
    %dma_start3A_52 = tpu.memref_slice %arg12[%dma_start3A_50, %dma_start3A_51] : memref<256x128xf32, #tpu.memory_space<vmem>> -> memref<128x128xf32, #tpu.memory_space<vmem>>
    %dma_start3A_53 = arith.constant 128 : i32
    %dma_start3A_54 = tpu.memref_slice %arg11[%dma_start3A_53] : memref<256xi32, #tpu.memory_space<vmem>> -> memref<128xi32, #tpu.memory_space<vmem>>
    %dma_start3A_55 = arith.constant 0 : i32
    %dma_start3A_56 = arith.constant 0 : i32
    %dma_start3A_57 = tpu.memref_slice %arg2[%dma_start3A_55, %dma_start3A_56] : memref<32768x128xf32, #tpu.memory_space<hbm>> -> memref<32768x128xf32, #tpu.memory_space<hbm>>
    tpu.enqueue_indirect_dma source(%dma_start3A_57 : memref<32768x128xf32, #tpu.memory_space<hbm>>) target(%dma_start3A_52 : memref<128x128xf32, #tpu.memory_space<vmem>>) offsets(%dma_start3A_54 : memref<128xi32, #tpu.memory_space<vmem>>) semaphore(%arg19 : memref<!tpu.dma_semaphore, #tpu.memory_space<semaphore_mem>>)
    %dma_wait3A_58 = arith.constant 128 : i32
    %dma_wait3A_59 = arith.constant 0 : i32
    %dma_wait3A_60 = tpu.memref_slice %arg12[%dma_wait3A_58, %dma_wait3A_59] : memref<256x128xf32, #tpu.memory_space<vmem>> -> memref<128x128xf32, #tpu.memory_space<vmem>>
    %dma_wait3A_61 = arith.constant 128 : i32
    %dma_wait3A_62 = tpu.memref_slice %arg11[%dma_wait3A_61] : memref<256xi32, #tpu.memory_space<vmem>> -> memref<128xi32, #tpu.memory_space<vmem>>
    %dma_wait3A_63 = arith.constant 0 : i32
    %dma_wait3A_64 = arith.constant 0 : i32
    %dma_wait3A_65 = tpu.memref_slice %arg2[%dma_wait3A_63, %dma_wait3A_64] : memref<32768x128xf32, #tpu.memory_space<hbm>> -> memref<32768x128xf32, #tpu.memory_space<hbm>>
    tpu.wait_indirect_dma semaphore(%arg19 : memref<!tpu.dma_semaphore, #tpu.memory_space<semaphore_mem>>) src(%dma_wait3A_65 : memref<32768x128xf32, #tpu.memory_space<hbm>>) dst(%dma_wait3A_60 : memref<128x128xf32, #tpu.memory_space<vmem>>)
    %dma_start3A_66 = arith.constant 0 : i32
    %dma_start3A_67 = arith.constant 0 : i32
    %dma_start3A_68 = tpu.memref_slice %arg13[%dma_start3A_66, %dma_start3A_67] : memref<256x128xf32, #tpu.memory_space<vmem>> -> memref<128x128xf32, #tpu.memory_space<vmem>>
    %dma_start3A_69 = arith.constant 0 : i32
    %dma_start3A_70 = tpu.memref_slice %arg11[%dma_start3A_69] : memref<256xi32, #tpu.memory_space<vmem>> -> memref<128xi32, #tpu.memory_space<vmem>>
    %dma_start3A_71 = arith.constant 0 : i32
    %dma_start3A_72 = arith.constant 0 : i32
    %dma_start3A_73 = tpu.memref_slice %arg3[%dma_start3A_71, %dma_start3A_72] : memref<32768x128xf32, #tpu.memory_space<hbm>> -> memref<32768x128xf32, #tpu.memory_space<hbm>>
    tpu.enqueue_indirect_dma source(%dma_start3A_73 : memref<32768x128xf32, #tpu.memory_space<hbm>>) target(%dma_start3A_68 : memref<128x128xf32, #tpu.memory_space<vmem>>) offsets(%dma_start3A_70 : memref<128xi32, #tpu.memory_space<vmem>>) semaphore(%arg19 : memref<!tpu.dma_semaphore, #tpu.memory_space<semaphore_mem>>)
    %dma_wait3A_74 = arith.constant 0 : i32
    %dma_wait3A_75 = arith.constant 0 : i32
    %dma_wait3A_76 = tpu.memref_slice %arg13[%dma_wait3A_74, %dma_wait3A_75] : memref<256x128xf32, #tpu.memory_space<vmem>> -> memref<128x128xf32, #tpu.memory_space<vmem>>
    %dma_wait3A_77 = arith.constant 0 : i32
    %dma_wait3A_78 = tpu.memref_slice %arg11[%dma_wait3A_77] : memref<256xi32, #tpu.memory_space<vmem>> -> memref<128xi32, #tpu.memory_space<vmem>>
    %dma_wait3A_79 = arith.constant 0 : i32
    %dma_wait3A_80 = arith.constant 0 : i32
    %dma_wait3A_81 = tpu.memref_slice %arg3[%dma_wait3A_79, %dma_wait3A_80] : memref<32768x128xf32, #tpu.memory_space<hbm>> -> memref<32768x128xf32, #tpu.memory_space<hbm>>
    tpu.wait_indirect_dma semaphore(%arg19 : memref<!tpu.dma_semaphore, #tpu.memory_space<semaphore_mem>>) src(%dma_wait3A_81 : memref<32768x128xf32, #tpu.memory_space<hbm>>) dst(%dma_wait3A_76 : memref<128x128xf32, #tpu.memory_space<vmem>>)
    %dma_start3A_82 = arith.constant 128 : i32
    %dma_start3A_83 = arith.constant 0 : i32
    %dma_start3A_84 = tpu.memref_slice %arg13[%dma_start3A_82, %dma_start3A_83] : memref<256x128xf32, #tpu.memory_space<vmem>> -> memref<128x128xf32, #tpu.memory_space<vmem>>
    %dma_start3A_85 = arith.constant 128 : i32
    %dma_start3A_86 = tpu.memref_slice %arg11[%dma_start3A_85] : memref<256xi32, #tpu.memory_space<vmem>> -> memref<128xi32, #tpu.memory_space<vmem>>
    %dma_start3A_87 = arith.constant 0 : i32
    %dma_start3A_88 = arith.constant 0 : i32
    %dma_start3A_89 = tpu.memref_slice %arg3[%dma_start3A_87, %dma_start3A_88] : memref<32768x128xf32, #tpu.memory_space<hbm>> -> memref<32768x128xf32, #tpu.memory_space<hbm>>
    tpu.enqueue_indirect_dma source(%dma_start3A_89 : memref<32768x128xf32, #tpu.memory_space<hbm>>) target(%dma_start3A_84 : memref<128x128xf32, #tpu.memory_space<vmem>>) offsets(%dma_start3A_86 : memref<128xi32, #tpu.memory_space<vmem>>) semaphore(%arg19 : memref<!tpu.dma_semaphore, #tpu.memory_space<semaphore_mem>>)
    %dma_wait3A_90 = arith.constant 128 : i32
    %dma_wait3A_91 = arith.constant 0 : i32
    %dma_wait3A_92 = tpu.memref_slice %arg13[%dma_wait3A_90, %dma_wait3A_91] : memref<256x128xf32, #tpu.memory_space<vmem>> -> memref<128x128xf32, #tpu.memory_space<vmem>>
    %dma_wait3A_93 = arith.constant 128 : i32
    %dma_wait3A_94 = tpu.memref_slice %arg11[%dma_wait3A_93] : memref<256xi32, #tpu.memory_space<vmem>> -> memref<128xi32, #tpu.memory_space<vmem>>
    %dma_wait3A_95 = arith.constant 0 : i32
    %dma_wait3A_96 = arith.constant 0 : i32
    %dma_wait3A_97 = tpu.memref_slice %arg3[%dma_wait3A_95, %dma_wait3A_96] : memref<32768x128xf32, #tpu.memory_space<hbm>> -> memref<32768x128xf32, #tpu.memory_space<hbm>>
    tpu.wait_indirect_dma semaphore(%arg19 : memref<!tpu.dma_semaphore, #tpu.memory_space<semaphore_mem>>) src(%dma_wait3A_97 : memref<32768x128xf32, #tpu.memory_space<hbm>>) dst(%dma_wait3A_92 : memref<128x128xf32, #tpu.memory_space<vmem>>)
    "tpu.region"() ({
      %run_scoped3A = tpu.sem_alloc : memref<!tpu.dma_semaphore, #tpu.memory_space<semaphore_mem>>
      %dma_start3A_128 = arith.constant 0 : i32
      %dma_start3A_129 = tpu.memref_slice %arg7[%mul3A_2, %dma_start3A_128] : memref<8192x128xf32, #tpu.memory_space<hbm>> -> memref<256x128xf32, #tpu.memory_space<hbm>>
      %dma_start3A_130 = arith.constant 0 : i32
      %dma_start3A_131 = tpu.memref_slice %arg7[%mul3A_2, %dma_start3A_130] : memref<8192x128xf32, #tpu.memory_space<hbm>> -> memref<256x128xf32, #tpu.memory_space<hbm>>
      tpu.enqueue_dma source(%arg12 : memref<256x128xf32, #tpu.memory_space<vmem>>) target(%dma_start3A_131 : memref<256x128xf32, #tpu.memory_space<hbm>>) target_semaphore(%run_scoped3A : memref<!tpu.dma_semaphore, #tpu.memory_space<semaphore_mem>>)
      %dma_wait3A_132 = arith.constant 0 : i32
      %dma_wait3A_133 = tpu.memref_slice %arg7[%mul3A_2, %dma_wait3A_132] : memref<8192x128xf32, #tpu.memory_space<hbm>> -> memref<256x128xf32, #tpu.memory_space<hbm>>
      %dma_wait3A_134 = arith.constant 0 : i32
      %dma_wait3A_135 = tpu.memref_slice %arg7[%mul3A_2, %dma_wait3A_134] : memref<8192x128xf32, #tpu.memory_space<hbm>> -> memref<256x128xf32, #tpu.memory_space<hbm>>
      tpu.wait_dma2 semaphore(%run_scoped3A : memref<!tpu.dma_semaphore, #tpu.memory_space<semaphore_mem>>) src(%arg12 : memref<256x128xf32, #tpu.memory_space<vmem>>) dst(%dma_wait3A_135 : memref<256x128xf32, #tpu.memory_space<hbm>>)
      tpu.yield
    }) : () -> ()
    %broadcast_in_dim3A = arith.constant 0.000000e+00 : f32
    %broadcast_in_dim3A_98 = vector.broadcast %broadcast_in_dim3A : f32 to vector<16xf32>
    %scan3A_99 = arith.constant 0 : i32
    %scan3A_100 = arith.constant 64 : i32
    %scan3A_101 = arith.addi %scan3A_99, %scan3A_100 : i32
    %scan3A_102 = arith.constant 1 : i32
    %scan3A_103:4 = scf.for %scan3A_128 = %scan3A_99 to %scan3A_101 step %scan3A_102 iter_args(%scan3A_129 = %broadcast_in_dim3A_98, %scan3A_130 = %broadcast_in_dim3A_98, %scan3A_131 = %broadcast_in_dim3A_98, %scan3A_132 = %broadcast_in_dim3A_98) -> (vector<16xf32>, vector<16xf32>, vector<16xf32>, vector<16xf32>)  : i32 {
      %mul3A_133 = arith.constant 96 : i32
      %mul3A_134 = arith.muli %scan3A_128, %mul3A_133 : i32
      %dma_start3A_135 = tpu.memref_slice %arg10[%mul3A_134] : memref<6144xi32, #tpu.memory_space<vmem>> -> memref<96xi32, #tpu.memory_space<vmem>>
      %dma_start3A_136 = arith.constant 0 : i32
      %dma_start3A_137 = arith.constant 0 : i32
      %dma_start3A_138 = tpu.memref_slice %arg2[%dma_start3A_136, %dma_start3A_137] : memref<32768x128xf32, #tpu.memory_space<hbm>> -> memref<32768x128xf32, #tpu.memory_space<hbm>>
      tpu.enqueue_indirect_dma source(%dma_start3A_138 : memref<32768x128xf32, #tpu.memory_space<hbm>>) target(%arg14 : memref<96x128xf32, #tpu.memory_space<vmem>>) offsets(%dma_start3A_135 : memref<96xi32, #tpu.memory_space<vmem>>) semaphore(%arg19 : memref<!tpu.dma_semaphore, #tpu.memory_space<semaphore_mem>>)
      %mul3A_139 = arith.constant 96 : i32
      %mul3A_140 = arith.muli %scan3A_128, %mul3A_139 : i32
      %dma_start3A_141 = tpu.memref_slice %arg10[%mul3A_140] : memref<6144xi32, #tpu.memory_space<vmem>> -> memref<96xi32, #tpu.memory_space<vmem>>
      %dma_start3A_142 = arith.constant 0 : i32
      %dma_start3A_143 = arith.constant 0 : i32
      %dma_start3A_144 = tpu.memref_slice %arg3[%dma_start3A_142, %dma_start3A_143] : memref<32768x128xf32, #tpu.memory_space<hbm>> -> memref<32768x128xf32, #tpu.memory_space<hbm>>
      tpu.enqueue_indirect_dma source(%dma_start3A_144 : memref<32768x128xf32, #tpu.memory_space<hbm>>) target(%arg15 : memref<96x128xf32, #tpu.memory_space<vmem>>) offsets(%dma_start3A_141 : memref<96xi32, #tpu.memory_space<vmem>>) semaphore(%arg20 : memref<!tpu.dma_semaphore, #tpu.memory_space<semaphore_mem>>)
      %mul3A_145 = arith.constant 96 : i32
      %mul3A_146 = arith.muli %scan3A_128, %mul3A_145 : i32
      %dma_wait3A_147 = tpu.memref_slice %arg10[%mul3A_146] : memref<6144xi32, #tpu.memory_space<vmem>> -> memref<96xi32, #tpu.memory_space<vmem>>
      %dma_wait3A_148 = arith.constant 0 : i32
      %dma_wait3A_149 = arith.constant 0 : i32
      %dma_wait3A_150 = tpu.memref_slice %arg2[%dma_wait3A_148, %dma_wait3A_149] : memref<32768x128xf32, #tpu.memory_space<hbm>> -> memref<32768x128xf32, #tpu.memory_space<hbm>>
      tpu.wait_indirect_dma semaphore(%arg19 : memref<!tpu.dma_semaphore, #tpu.memory_space<semaphore_mem>>) src(%dma_wait3A_150 : memref<32768x128xf32, #tpu.memory_space<hbm>>) dst(%arg14 : memref<96x128xf32, #tpu.memory_space<vmem>>)
      %mul3A_151 = arith.constant 96 : i32
      %mul3A_152 = arith.muli %scan3A_128, %mul3A_151 : i32
      %dma_wait3A_153 = tpu.memref_slice %arg10[%mul3A_152] : memref<6144xi32, #tpu.memory_space<vmem>> -> memref<96xi32, #tpu.memory_space<vmem>>
      %dma_wait3A_154 = arith.constant 0 : i32
      %dma_wait3A_155 = arith.constant 0 : i32
      %dma_wait3A_156 = tpu.memref_slice %arg3[%dma_wait3A_154, %dma_wait3A_155] : memref<32768x128xf32, #tpu.memory_space<hbm>> -> memref<32768x128xf32, #tpu.memory_space<hbm>>
      tpu.wait_indirect_dma semaphore(%arg20 : memref<!tpu.dma_semaphore, #tpu.memory_space<semaphore_mem>>) src(%dma_wait3A_156 : memref<32768x128xf32, #tpu.memory_space<hbm>>) dst(%arg15 : memref<96x128xf32, #tpu.memory_space<vmem>>)
      %scan3A_157 = arith.constant 0 : i32
      %scan3A_158 = arith.constant 96 : i32
      %scan3A_159 = arith.addi %scan3A_157, %scan3A_158 : i32
      %scan3A_160 = arith.constant 1 : i32
      %scan3A_161:4 = scf.for %scan3A_175 = %scan3A_157 to %scan3A_159 step %scan3A_160 iter_args(%scan3A_176 = %scan3A_129, %scan3A_177 = %scan3A_130, %scan3A_178 = %scan3A_131, %scan3A_179 = %scan3A_132) -> (vector<16xf32>, vector<16xf32>, vector<16xf32>, vector<16xf32>)  : i32 {
        %jit3A_180 = arith.constant 24 : i32
        %div3A_181 = arith.divsi %scan3A_175, %jit3A_180 : i32
        %sign3A_182 = arith.constant 0 : i32
        %sign3A_183 = arith.cmpi sgt, %scan3A_175, %sign3A_182 : i32
        %sign3A_184 = arith.extui %sign3A_183 : i1 to i32
        %sign3A_185 = arith.constant 0 : i32
        %sign3A_186 = arith.cmpi slt, %scan3A_175, %sign3A_185 : i32
        %sign3A_187 = arith.extui %sign3A_186 : i1 to i32
        %sign3A_188 = arith.subi %sign3A_184, %sign3A_187 : i32
        %sign3A_189 = arith.constant 0 : i32
        %sign3A_190 = arith.cmpi sgt, %jit3A_180, %sign3A_189 : i32
        %sign3A_191 = arith.extui %sign3A_190 : i1 to i32
        %sign3A_192 = arith.constant 0 : i32
        %sign3A_193 = arith.cmpi slt, %jit3A_180, %sign3A_192 : i32
        %sign3A_194 = arith.extui %sign3A_193 : i1 to i32
        %sign3A_195 = arith.subi %sign3A_191, %sign3A_194 : i32
        %ne3A_196 = arith.cmpi ne, %sign3A_188, %sign3A_195 : i32
        %rem3A_197 = arith.remsi %scan3A_175, %jit3A_180 : i32
        %ne3A_198 = arith.constant 0 : i32
        %ne3A_199 = arith.cmpi ne, %rem3A_197, %ne3A_198 : i32
        %and3A_200 = arith.andi %ne3A_196, %ne3A_199 : i1
        %sub3A_201 = arith.constant 1 : i32
        %sub3A_202 = arith.subi %div3A_181, %sub3A_201 : i32
        %select_n3A_203 = arith.select %and3A_200, %sub3A_202, %div3A_181 : i32
        %mul3A_204 = arith.constant 4 : i32
        %mul3A_205 = arith.muli %scan3A_128, %mul3A_204 : i32
        %add3A_206 = arith.addi %mul3A_205, %select_n3A_203 : i32
        %mul3A_207 = arith.constant 128 : i32
        %mul3A_208 = arith.muli %scan3A_175, %mul3A_207 : i32
        %get3A = arith.index_cast %add3A_206 : i32 to index
        %get3A_209 = arith.constant 0 : index
        %get3A_210 = tpu.vector_load %arg12[%get3A, %get3A_209] {strides = array<i32>} : memref<256x128xf32, #tpu.memory_space<vmem>>, vector<1x16xf32>,
        %get3A_211 = vector.shape_cast %get3A_210 : vector<1x16xf32> to vector<16xf32>
        %get3A_212 = arith.index_cast %scan3A_175 : i32 to index
        %get3A_213 = arith.constant 0 : index
        %get3A_214 = tpu.vector_load %arg14[%get3A_212, %get3A_213] {strides = array<i32>} : memref<96x128xf32, #tpu.memory_space<vmem>>, vector<1x16xf32>,
        %get3A_215 = vector.shape_cast %get3A_214 : vector<1x16xf32> to vector<16xf32>
        %sub3A_216 = arith.subf %get3A_215, %get3A_211 : vector<16xf32>
        %add3A_217 = arith.constant 0 : i32
        %add3A_218 = arith.addi %mul3A_208, %add3A_217 : i32
        %swap3A_219 = arith.index_cast %add3A_218 : i32 to index
        %swap3A_220 = tpu.vector_load %arg16[%swap3A_219] {strides = array<i32>} : memref<12288xf32, #tpu.memory_space<vmem>>, vector<16xf32>,
        %swap3A_221 = vector.shape_cast %swap3A_220 : vector<16xf32> to vector<16xf32>
        %swap3A_222 = vector.shape_cast %sub3A_216 : vector<16xf32> to vector<16xf32>
        tpu.vector_store %arg16[%swap3A_219], %swap3A_222 {strides = array<i32>} : memref<12288xf32, #tpu.memory_space<vmem>>, vector<16xf32>,
        %add3A_223 = arith.addf %scan3A_176, %sub3A_216 : vector<16xf32>
        %mul3A_224 = arith.mulf %sub3A_216, %sub3A_216 : vector<16xf32>
        %add3A_225 = arith.addf %scan3A_177, %mul3A_224 : vector<16xf32>
        %get3A_226 = arith.index_cast %add3A_206 : i32 to index
        %get3A_227 = arith.constant 16 : index
        %get3A_228 = tpu.vector_load %arg12[%get3A_226, %get3A_227] {strides = array<i32>} : memref<256x128xf32, #tpu.memory_space<vmem>>, vector<1x16xf32>,
        %get3A_229 = vector.shape_cast %get3A_228 : vector<1x16xf32> to vector<16xf32>
        %get3A_230 = arith.index_cast %scan3A_175 : i32 to index
        %get3A_231 = arith.constant 16 : index
        %get3A_232 = tpu.vector_load %arg14[%get3A_230, %get3A_231] {strides = array<i32>} : memref<96x128xf32, #tpu.memory_space<vmem>>, vector<1x16xf32>,
        %get3A_233 = vector.shape_cast %get3A_232 : vector<1x16xf32> to vector<16xf32>
        %sub3A_234 = arith.subf %get3A_233, %get3A_229 : vector<16xf32>
        %add3A_235 = arith.constant 16 : i32
        %add3A_236 = arith.addi %mul3A_208, %add3A_235 : i32
        %swap3A_237 = arith.index_cast %add3A_236 : i32 to index
        %swap3A_238 = tpu.vector_load %arg16[%swap3A_237] {strides = array<i32>} : memref<12288xf32, #tpu.memory_space<vmem>>, vector<16xf32>,
        %swap3A_239 = vector.shape_cast %swap3A_238 : vector<16xf32> to vector<16xf32>
        %swap3A_240 = vector.shape_cast %sub3A_234 : vector<16xf32> to vector<16xf32>
        tpu.vector_store %arg16[%swap3A_237], %swap3A_240 {strides = array<i32>} : memref<12288xf32, #tpu.memory_space<vmem>>, vector<16xf32>,
        %add3A_241 = arith.addf %add3A_223, %sub3A_234 : vector<16xf32>
        %mul3A_242 = arith.mulf %sub3A_234, %sub3A_234 : vector<16xf32>
        %add3A_243 = arith.addf %add3A_225, %mul3A_242 : vector<16xf32>
        %get3A_244 = arith.index_cast %add3A_206 : i32 to index
        %get3A_245 = arith.constant 32 : index
        %get3A_246 = tpu.vector_load %arg12[%get3A_244, %get3A_245] {strides = array<i32>} : memref<256x128xf32, #tpu.memory_space<vmem>>, vector<1x16xf32>,
        %get3A_247 = vector.shape_cast %get3A_246 : vector<1x16xf32> to vector<16xf32>
        %get3A_248 = arith.index_cast %scan3A_175 : i32 to index
        %get3A_249 = arith.constant 32 : index
        %get3A_250 = tpu.vector_load %arg14[%get3A_248, %get3A_249] {strides = array<i32>} : memref<96x128xf32, #tpu.memory_space<vmem>>, vector<1x16xf32>,
        %get3A_251 = vector.shape_cast %get3A_250 : vector<1x16xf32> to vector<16xf32>
        %sub3A_252 = arith.subf %get3A_251, %get3A_247 : vector<16xf32>
        %add3A_253 = arith.constant 32 : i32
        %add3A_254 = arith.addi %mul3A_208, %add3A_253 : i32
        %swap3A_255 = arith.index_cast %add3A_254 : i32 to index
        %swap3A_256 = tpu.vector_load %arg16[%swap3A_255] {strides = array<i32>} : memref<12288xf32, #tpu.memory_space<vmem>>, vector<16xf32>,
        %swap3A_257 = vector.shape_cast %swap3A_256 : vector<16xf32> to vector<16xf32>
        %swap3A_258 = vector.shape_cast %sub3A_252 : vector<16xf32> to vector<16xf32>
        tpu.vector_store %arg16[%swap3A_255], %swap3A_258 {strides = array<i32>} : memref<12288xf32, #tpu.memory_space<vmem>>, vector<16xf32>,
        %add3A_259 = arith.addf %add3A_241, %sub3A_252 : vector<16xf32>
        %mul3A_260 = arith.mulf %sub3A_252, %sub3A_252 : vector<16xf32>
        %add3A_261 = arith.addf %add3A_243, %mul3A_260 : vector<16xf32>
        %get3A_262 = arith.index_cast %add3A_206 : i32 to index
        %get3A_263 = arith.constant 48 : index
        %get3A_264 = tpu.vector_load %arg12[%get3A_262, %get3A_263] {strides = array<i32>} : memref<256x128xf32, #tpu.memory_space<vmem>>, vector<1x16xf32>,
        %get3A_265 = vector.shape_cast %get3A_264 : vector<1x16xf32> to vector<16xf32>
        %get3A_266 = arith.index_cast %scan3A_175 : i32 to index
        %get3A_267 = arith.constant 48 : index
        %get3A_268 = tpu.vector_load %arg14[%get3A_266, %get3A_267] {strides = array<i32>} : memref<96x128xf32, #tpu.memory_space<vmem>>, vector<1x16xf32>,
        %get3A_269 = vector.shape_cast %get3A_268 : vector<1x16xf32> to vector<16xf32>
        %sub3A_270 = arith.subf %get3A_269, %get3A_265 : vector<16xf32>
        %add3A_271 = arith.constant 48 : i32
        %add3A_272 = arith.addi %mul3A_208, %add3A_271 : i32
        %swap3A_273 = arith.index_cast %add3A_272 : i32 to index
        %swap3A_274 = tpu.vector_load %arg16[%swap3A_273] {strides = array<i32>} : memref<12288xf32, #tpu.memory_space<vmem>>, vector<16xf32>,
        %swap3A_275 = vector.shape_cast %swap3A_274 : vector<16xf32> to vector<16xf32>
        %swap3A_276 = vector.shape_cast %sub3A_270 : vector<16xf32> to vector<16xf32>
        tpu.vector_store %arg16[%swap3A_273], %swap3A_276 {strides = array<i32>} : memref<12288xf32, #tpu.memory_space<vmem>>, vector<16xf32>,
        %add3A_277 = arith.addf %add3A_259, %sub3A_270 : vector<16xf32>
        %mul3A_278 = arith.mulf %sub3A_270, %sub3A_270 : vector<16xf32>
        %add3A_279 = arith.addf %add3A_261, %mul3A_278 : vector<16xf32>
        %get3A_280 = arith.index_cast %add3A_206 : i32 to index
        %get3A_281 = arith.constant 64 : index
        %get3A_282 = tpu.vector_load %arg12[%get3A_280, %get3A_281] {strides = array<i32>} : memref<256x128xf32, #tpu.memory_space<vmem>>, vector<1x16xf32>,
        %get3A_283 = vector.shape_cast %get3A_282 : vector<1x16xf32> to vector<16xf32>
        %get3A_284 = arith.index_cast %scan3A_175 : i32 to index
        %get3A_285 = arith.constant 64 : index
        %get3A_286 = tpu.vector_load %arg14[%get3A_284, %get3A_285] {strides = array<i32>} : memref<96x128xf32, #tpu.memory_space<vmem>>, vector<1x16xf32>,
        %get3A_287 = vector.shape_cast %get3A_286 : vector<1x16xf32> to vector<16xf32>
        %sub3A_288 = arith.subf %get3A_287, %get3A_283 : vector<16xf32>
        %add3A_289 = arith.constant 64 : i32
        %add3A_290 = arith.addi %mul3A_208, %add3A_289 : i32
        %swap3A_291 = arith.index_cast %add3A_290 : i32 to index
        %swap3A_292 = tpu.vector_load %arg16[%swap3A_291] {strides = array<i32>} : memref<12288xf32, #tpu.memory_space<vmem>>, vector<16xf32>,
        %swap3A_293 = vector.shape_cast %swap3A_292 : vector<16xf32> to vector<16xf32>
        %swap3A_294 = vector.shape_cast %sub3A_288 : vector<16xf32> to vector<16xf32>
        tpu.vector_store %arg16[%swap3A_291], %swap3A_294 {strides = array<i32>} : memref<12288xf32, #tpu.memory_space<vmem>>, vector<16xf32>,
        %add3A_295 = arith.addf %add3A_277, %sub3A_288 : vector<16xf32>
        %mul3A_296 = arith.mulf %sub3A_288, %sub3A_288 : vector<16xf32>
        %add3A_297 = arith.addf %add3A_279, %mul3A_296 : vector<16xf32>
        %get3A_298 = arith.index_cast %add3A_206 : i32 to index
        %get3A_299 = arith.constant 80 : index
        %get3A_300 = tpu.vector_load %arg12[%get3A_298, %get3A_299] {strides = array<i32>} : memref<256x128xf32, #tpu.memory_space<vmem>>, vector<1x16xf32>,
        %get3A_301 = vector.shape_cast %get3A_300 : vector<1x16xf32> to vector<16xf32>
        %get3A_302 = arith.index_cast %scan3A_175 : i32 to index
        %get3A_303 = arith.constant 80 : index
        %get3A_304 = tpu.vector_load %arg14[%get3A_302, %get3A_303] {strides = array<i32>} : memref<96x128xf32, #tpu.memory_space<vmem>>, vector<1x16xf32>,
        %get3A_305 = vector.shape_cast %get3A_304 : vector<1x16xf32> to vector<16xf32>
        %sub3A_306 = arith.subf %get3A_305, %get3A_301 : vector<16xf32>
        %add3A_307 = arith.constant 80 : i32
        %add3A_308 = arith.addi %mul3A_208, %add3A_307 : i32
        %swap3A_309 = arith.index_cast %add3A_308 : i32 to index
        %swap3A_310 = tpu.vector_load %arg16[%swap3A_309] {strides = array<i32>} : memref<12288xf32, #tpu.memory_space<vmem>>, vector<16xf32>,
        %swap3A_311 = vector.shape_cast %swap3A_310 : vector<16xf32> to vector<16xf32>
        %swap3A_312 = vector.shape_cast %sub3A_306 : vector<16xf32> to vector<16xf32>
        tpu.vector_store %arg16[%swap3A_309], %swap3A_312 {strides = array<i32>} : memref<12288xf32, #tpu.memory_space<vmem>>, vector<16xf32>,
        %add3A_313 = arith.addf %add3A_295, %sub3A_306 : vector<16xf32>
        %mul3A_314 = arith.mulf %sub3A_306, %sub3A_306 : vector<16xf32>
        %add3A_315 = arith.addf %add3A_297, %mul3A_314 : vector<16xf32>
        %get3A_316 = arith.index_cast %add3A_206 : i32 to index
        %get3A_317 = arith.constant 96 : index
        %get3A_318 = tpu.vector_load %arg12[%get3A_316, %get3A_317] {strides = array<i32>} : memref<256x128xf32, #tpu.memory_space<vmem>>, vector<1x16xf32>,
        %get3A_319 = vector.shape_cast %get3A_318 : vector<1x16xf32> to vector<16xf32>
        %get3A_320 = arith.index_cast %scan3A_175 : i32 to index
        %get3A_321 = arith.constant 96 : index
        %get3A_322 = tpu.vector_load %arg14[%get3A_320, %get3A_321] {strides = array<i32>} : memref<96x128xf32, #tpu.memory_space<vmem>>, vector<1x16xf32>,
        %get3A_323 = vector.shape_cast %get3A_322 : vector<1x16xf32> to vector<16xf32>
        %sub3A_324 = arith.subf %get3A_323, %get3A_319 : vector<16xf32>
        %add3A_325 = arith.constant 96 : i32
        %add3A_326 = arith.addi %mul3A_208, %add3A_325 : i32
        %swap3A_327 = arith.index_cast %add3A_326 : i32 to index
        %swap3A_328 = tpu.vector_load %arg16[%swap3A_327] {strides = array<i32>} : memref<12288xf32, #tpu.memory_space<vmem>>, vector<16xf32>,
        %swap3A_329 = vector.shape_cast %swap3A_328 : vector<16xf32> to vector<16xf32>
        %swap3A_330 = vector.shape_cast %sub3A_324 : vector<16xf32> to vector<16xf32>
        tpu.vector_store %arg16[%swap3A_327], %swap3A_330 {strides = array<i32>} : memref<12288xf32, #tpu.memory_space<vmem>>, vector<16xf32>,
        %add3A_331 = arith.addf %add3A_313, %sub3A_324 : vector<16xf32>
        %mul3A_332 = arith.mulf %sub3A_324, %sub3A_324 : vector<16xf32>
        %add3A_333 = arith.addf %add3A_315, %mul3A_332 : vector<16xf32>
        %get3A_334 = arith.index_cast %add3A_206 : i32 to index
        %get3A_335 = arith.constant 112 : index
        %get3A_336 = tpu.vector_load %arg12[%get3A_334, %get3A_335] {strides = array<i32>} : memref<256x128xf32, #tpu.memory_space<vmem>>, vector<1x16xf32>,
        %get3A_337 = vector.shape_cast %get3A_336 : vector<1x16xf32> to vector<16xf32>
        %get3A_338 = arith.index_cast %scan3A_175 : i32 to index
        %get3A_339 = arith.constant 112 : index
        %get3A_340 = tpu.vector_load %arg14[%get3A_338, %get3A_339] {strides = array<i32>} : memref<96x128xf32, #tpu.memory_space<vmem>>, vector<1x16xf32>,
        %get3A_341 = vector.shape_cast %get3A_340 : vector<1x16xf32> to vector<16xf32>
        %sub3A_342 = arith.subf %get3A_341, %get3A_337 : vector<16xf32>
        %add3A_343 = arith.constant 112 : i32
        %add3A_344 = arith.addi %mul3A_208, %add3A_343 : i32
        %swap3A_345 = arith.index_cast %add3A_344 : i32 to index
        %swap3A_346 = tpu.vector_load %arg16[%swap3A_345] {strides = array<i32>} : memref<12288xf32, #tpu.memory_space<vmem>>, vector<16xf32>,
        %swap3A_347 = vector.shape_cast %swap3A_346 : vector<16xf32> to vector<16xf32>
        %swap3A_348 = vector.shape_cast %sub3A_342 : vector<16xf32> to vector<16xf32>
        tpu.vector_store %arg16[%swap3A_345], %swap3A_348 {strides = array<i32>} : memref<12288xf32, #tpu.memory_space<vmem>>, vector<16xf32>,
        %add3A_349 = arith.addf %add3A_331, %sub3A_342 : vector<16xf32>
        %mul3A_350 = arith.mulf %sub3A_342, %sub3A_342 : vector<16xf32>
        %add3A_351 = arith.addf %add3A_333, %mul3A_350 : vector<16xf32>
        %get3A_352 = arith.index_cast %scan3A_175 : i32 to index
        %get3A_353 = arith.constant 0 : index
        %get3A_354 = tpu.vector_load %arg15[%get3A_352, %get3A_353] {strides = array<i32>} : memref<96x128xf32, #tpu.memory_space<vmem>>, vector<1x16xf32>,
        %get3A_355 = vector.shape_cast %get3A_354 : vector<1x16xf32> to vector<16xf32>
        %get3A_356 = arith.index_cast %add3A_206 : i32 to index
        %get3A_357 = arith.constant 0 : index
        %get3A_358 = tpu.vector_load %arg13[%get3A_356, %get3A_357] {strides = array<i32>} : memref<256x128xf32, #tpu.memory_space<vmem>>, vector<1x16xf32>,
        %get3A_359 = vector.shape_cast %get3A_358 : vector<1x16xf32> to vector<16xf32>
        %sub3A_360 = arith.subf %get3A_355, %get3A_359 : vector<16xf32>
        %swap3A_361 = arith.index_cast %scan3A_175 : i32 to index
        %swap3A_362 = arith.constant 0 : index
        %swap3A_363 = tpu.vector_load %arg17[%swap3A_361, %swap3A_362] {strides = array<i32>} : memref<96x16xf32, #tpu.memory_space<vmem>>, vector<1x16xf32>,
        %swap3A_364 = vector.shape_cast %swap3A_363 : vector<1x16xf32> to vector<16xf32>
        %swap3A_365 = vector.shape_cast %sub3A_360 : vector<16xf32> to vector<1x16xf32>
        tpu.vector_store %arg17[%swap3A_361, %swap3A_362], %swap3A_365 {strides = array<i32>} : memref<96x16xf32, #tpu.memory_space<vmem>>, vector<1x16xf32>,
        %add3A_366 = arith.addf %scan3A_178, %sub3A_360 : vector<16xf32>
        %mul3A_367 = arith.mulf %sub3A_360, %sub3A_360 : vector<16xf32>
        %add3A_368 = arith.addf %scan3A_179, %mul3A_367 : vector<16xf32>
        scf.yield %add3A_349, %add3A_351, %add3A_366, %add3A_368 : vector<16xf32>, vector<16xf32>, vector<16xf32>, vector<16xf32>
      }
      %scan3A_162 = arith.constant 96 : i32
      %mul3A_163 = arith.constant 4 : i32
      %mul3A_164 = arith.muli %scan3A_128, %mul3A_163 : i32
      %add3A_165 = arith.addi %mul3A_2, %mul3A_164 : i32
      %mul3A_166 = arith.constant 24 : i32
      %mul3A_167 = arith.muli %add3A_165, %mul3A_166 : i32
      %mul3A_168 = arith.constant 128 : i32
      %mul3A_169 = arith.muli %mul3A_167, %mul3A_168 : i32
      "tpu.region"() ({
        %run_scoped3A = tpu.sem_alloc : memref<!tpu.dma_semaphore, #tpu.memory_space<semaphore_mem>>
        %dma_start3A_175 = tpu.memref_slice %arg6[%mul3A_169] : memref<25165824xf32, #tpu.memory_space<hbm>> -> memref<12288xf32, #tpu.memory_space<hbm>>
        %dma_start3A_176 = tpu.memref_slice %arg6[%mul3A_169] : memref<25165824xf32, #tpu.memory_space<hbm>> -> memref<12288xf32, #tpu.memory_space<hbm>>
        tpu.enqueue_dma source(%arg16 : memref<12288xf32, #tpu.memory_space<vmem>>) target(%dma_start3A_176 : memref<12288xf32, #tpu.memory_space<hbm>>) target_semaphore(%run_scoped3A : memref<!tpu.dma_semaphore, #tpu.memory_space<semaphore_mem>>)
        %dma_wait3A_177 = tpu.memref_slice %arg6[%mul3A_169] : memref<25165824xf32, #tpu.memory_space<hbm>> -> memref<12288xf32, #tpu.memory_space<hbm>>
        %dma_wait3A_178 = tpu.memref_slice %arg6[%mul3A_169] : memref<25165824xf32, #tpu.memory_space<hbm>> -> memref<12288xf32, #tpu.memory_space<hbm>>
        tpu.wait_dma2 semaphore(%run_scoped3A : memref<!tpu.dma_semaphore, #tpu.memory_space<semaphore_mem>>) src(%arg16 : memref<12288xf32, #tpu.memory_space<vmem>>) dst(%dma_wait3A_178 : memref<12288xf32, #tpu.memory_space<hbm>>)
        tpu.yield
      }) : () -> ()
      %mul3A_170 = arith.constant 4 : i32
      %mul3A_171 = arith.muli %scan3A_128, %mul3A_170 : i32
      %add3A_172 = arith.addi %mul3A_2, %mul3A_171 : i32
      %mul3A_173 = arith.constant 24 : i32
      %mul3A_174 = arith.muli %add3A_172, %mul3A_173 : i32
      "tpu.region"() ({
        %run_scoped3A = tpu.sem_alloc : memref<!tpu.dma_semaphore, #tpu.memory_space<semaphore_mem>>
        %dma_start3A_175 = arith.constant 0 : i32
        %dma_start3A_176 = tpu.memref_slice %arg8[%mul3A_174, %dma_start3A_175] : memref<196608x16xf32, #tpu.memory_space<hbm>> -> memref<96x16xf32, #tpu.memory_space<hbm>>
        %dma_start3A_177 = arith.constant 0 : i32
        %dma_start3A_178 = tpu.memref_slice %arg8[%mul3A_174, %dma_start3A_177] : memref<196608x16xf32, #tpu.memory_space<hbm>> -> memref<96x16xf32, #tpu.memory_space<hbm>>
        tpu.enqueue_dma source(%arg17 : memref<96x16xf32, #tpu.memory_space<vmem>>) target(%dma_start3A_178 : memref<96x16xf32, #tpu.memory_space<hbm>>) target_semaphore(%run_scoped3A : memref<!tpu.dma_semaphore, #tpu.memory_space<semaphore_mem>>)
        %dma_wait3A_179 = arith.constant 0 : i32
        %dma_wait3A_180 = tpu.memref_slice %arg8[%mul3A_174, %dma_wait3A_179] : memref<196608x16xf32, #tpu.memory_space<hbm>> -> memref<96x16xf32, #tpu.memory_space<hbm>>
        %dma_wait3A_181 = arith.constant 0 : i32
        %dma_wait3A_182 = tpu.memref_slice %arg8[%mul3A_174, %dma_wait3A_181] : memref<196608x16xf32, #tpu.memory_space<hbm>> -> memref<96x16xf32, #tpu.memory_space<hbm>>
        tpu.wait_dma2 semaphore(%run_scoped3A : memref<!tpu.dma_semaphore, #tpu.memory_space<semaphore_mem>>) src(%arg17 : memref<96x16xf32, #tpu.memory_space<vmem>>) dst(%dma_wait3A_182 : memref<96x16xf32, #tpu.memory_space<hbm>>)
        tpu.yield
      }) : () -> ()
      scf.yield %scan3A_161#0, %scan3A_161#1, %scan3A_161#2, %scan3A_161#3 : vector<16xf32>, vector<16xf32>, vector<16xf32>, vector<16xf32>
    }
    %scan3A_104 = arith.constant 64 : i32
    %swap3A = arith.constant 0 : i32
    %swap3A_105 = arith.index_cast %swap3A : i32 to index
    %swap3A_106 = arith.constant 0 : index
    %swap3A_107 = tpu.vector_load %arg18[%swap3A_105, %swap3A_106] {strides = array<i32>} : memref<4x16xf32, #tpu.memory_space<vmem>>, vector<1x16xf32>,
    %swap3A_108 = vector.shape_cast %swap3A_107 : vector<1x16xf32> to vector<16xf32>
    %swap3A_109 = vector.shape_cast %scan3A_103#0 : vector<16xf32> to vector<1x16xf32>
    tpu.vector_store %arg18[%swap3A_105, %swap3A_106], %swap3A_109 {strides = array<i32>} : memref<4x16xf32, #tpu.memory_space<vmem>>, vector<1x16xf32>,
    %swap3A_110 = arith.constant 1 : i32
    %swap3A_111 = arith.index_cast %swap3A_110 : i32 to index
    %swap3A_112 = arith.constant 0 : index
    %swap3A_113 = tpu.vector_load %arg18[%swap3A_111, %swap3A_112] {strides = array<i32>} : memref<4x16xf32, #tpu.memory_space<vmem>>, vector<1x16xf32>,
    %swap3A_114 = vector.shape_cast %swap3A_113 : vector<1x16xf32> to vector<16xf32>
    %swap3A_115 = vector.shape_cast %scan3A_103#1 : vector<16xf32> to vector<1x16xf32>
    tpu.vector_store %arg18[%swap3A_111, %swap3A_112], %swap3A_115 {strides = array<i32>} : memref<4x16xf32, #tpu.memory_space<vmem>>, vector<1x16xf32>,
    %swap3A_116 = arith.constant 2 : i32
    %swap3A_117 = arith.index_cast %swap3A_116 : i32 to index
    %swap3A_118 = arith.constant 0 : index
    %swap3A_119 = tpu.vector_load %arg18[%swap3A_117, %swap3A_118] {strides = array<i32>} : memref<4x16xf32, #tpu.memory_space<vmem>>, vector<1x16xf32>,
    %swap3A_120 = vector.shape_cast %swap3A_119 : vector<1x16xf32> to vector<16xf32>
    %swap3A_121 = vector.shape_cast %scan3A_103#2 : vector<16xf32> to vector<1x16xf32>
    tpu.vector_store %arg18[%swap3A_117, %swap3A_118], %swap3A_121 {strides = array<i32>} : memref<4x16xf32, #tpu.memory_space<vmem>>, vector<1x16xf32>,
    %swap3A_122 = arith.constant 3 : i32
    %swap3A_123 = arith.index_cast %swap3A_122 : i32 to index
    %swap3A_124 = arith.constant 0 : index
    %swap3A_125 = tpu.vector_load %arg18[%swap3A_123, %swap3A_124] {strides = array<i32>} : memref<4x16xf32, #tpu.memory_space<vmem>>, vector<1x16xf32>,
    %swap3A_126 = vector.shape_cast %swap3A_125 : vector<1x16xf32> to vector<16xf32>
    %swap3A_127 = vector.shape_cast %scan3A_103#3 : vector<16xf32> to vector<1x16xf32>
    tpu.vector_store %arg18[%swap3A_123, %swap3A_124], %swap3A_127 {strides = array<i32>} : memref<4x16xf32, #tpu.memory_space<vmem>>, vector<1x16xf32>,
    "tpu.region"() ({
      %run_scoped3A = tpu.sem_alloc : memref<!tpu.dma_semaphore, #tpu.memory_space<semaphore_mem>>
      %dma_start3A_128 = arith.constant 0 : i32
      %dma_start3A_129 = arith.constant 0 : i32
      %dma_start3A_130 = tpu.memref_slice %arg9[%add3A, %dma_start3A_128, %dma_start3A_129] : memref<32x4x16xf32, #tpu.memory_space<hbm>> -> memref<1x4x16xf32, #tpu.memory_space<hbm>>
      %dma_start3A_131 = tpu.memref_squeeze %dma_start3A_130 : memref<1x4x16xf32, #tpu.memory_space<hbm>> -> memref<4x16xf32, #tpu.memory_space<hbm>>
      %dma_start3A_132 = arith.constant 0 : i32
      %dma_start3A_133 = arith.constant 0 : i32
      %dma_start3A_134 = tpu.memref_slice %arg9[%add3A, %dma_start3A_132, %dma_start3A_133] : memref<32x4x16xf32, #tpu.memory_space<hbm>> -> memref<1x4x16xf32, #tpu.memory_space<hbm>>
      %dma_start3A_135 = tpu.memref_squeeze %dma_start3A_134 : memref<1x4x16xf32, #tpu.memory_space<hbm>> -> memref<4x16xf32, #tpu.memory_space<hbm>>
      tpu.enqueue_dma source(%arg18 : memref<4x16xf32, #tpu.memory_space<vmem>>) target(%dma_start3A_135 : memref<4x16xf32, #tpu.memory_space<hbm>>) target_semaphore(%run_scoped3A : memref<!tpu.dma_semaphore, #tpu.memory_space<semaphore_mem>>)
      %dma_wait3A_136 = arith.constant 0 : i32
      %dma_wait3A_137 = arith.constant 0 : i32
      %dma_wait3A_138 = tpu.memref_slice %arg9[%add3A, %dma_wait3A_136, %dma_wait3A_137] : memref<32x4x16xf32, #tpu.memory_space<hbm>> -> memref<1x4x16xf32, #tpu.memory_space<hbm>>
      %dma_wait3A_139 = tpu.memref_squeeze %dma_wait3A_138 : memref<1x4x16xf32, #tpu.memory_space<hbm>> -> memref<4x16xf32, #tpu.memory_space<hbm>>
      %dma_wait3A_140 = arith.constant 0 : i32
      %dma_wait3A_141 = arith.constant 0 : i32
      %dma_wait3A_142 = tpu.memref_slice %arg9[%add3A, %dma_wait3A_140, %dma_wait3A_141] : memref<32x4x16xf32, #tpu.memory_space<hbm>> -> memref<1x4x16xf32, #tpu.memory_space<hbm>>
      %dma_wait3A_143 = tpu.memref_squeeze %dma_wait3A_142 : memref<1x4x16xf32, #tpu.memory_space<hbm>> -> memref<4x16xf32, #tpu.memory_space<hbm>>
      tpu.wait_dma2 semaphore(%run_scoped3A : memref<!tpu.dma_semaphore, #tpu.memory_space<semaphore_mem>>) src(%arg18 : memref<4x16xf32, #tpu.memory_space<vmem>>) dst(%dma_wait3A_143 : memref<4x16xf32, #tpu.memory_space<hbm>>)
      tpu.yield
    }) : () -> ()
    return
  }
}

module attributes {stable_mosaic.version = 14 : i64} {
  func.func @_fps_kernel(%arg0: memref<3x16x2048xf32, #tpu.memory_space<vmem>>, %arg1: memref<16x512xi32, #tpu.memory_space<vmem>>, %arg2: memref<3x16x512xf32, #tpu.memory_space<vmem>>) attributes {dimension_semantics = [], scalar_prefetch = 0 : i64, scratch_operands = 0 : i64, tpu.core_type = #tpu.core_type<tc>} {
    %get3A = arith.constant 0 : index
    %get3A_0 = arith.constant 0 : index
    %get3A_1 = arith.constant 0 : index
    %get3A_2 = vector.load %arg0[%get3A, %get3A_0, %get3A_1] : memref<3x16x2048xf32, #tpu.memory_space<vmem>>, vector<1x16x2048xf32>
    %get3A_3 = vector.shape_cast %get3A_2 : vector<1x16x2048xf32> to vector<16x2048xf32>
    %get3A_4 = arith.constant 1 : index
    %get3A_5 = arith.constant 0 : index
    %get3A_6 = arith.constant 0 : index
    %get3A_7 = vector.load %arg0[%get3A_4, %get3A_5, %get3A_6] : memref<3x16x2048xf32, #tpu.memory_space<vmem>>, vector<1x16x2048xf32>
    %get3A_8 = vector.shape_cast %get3A_7 : vector<1x16x2048xf32> to vector<16x2048xf32>
    %get3A_9 = arith.constant 2 : index
    %get3A_10 = arith.constant 0 : index
    %get3A_11 = arith.constant 0 : index
    %get3A_12 = vector.load %arg0[%get3A_9, %get3A_10, %get3A_11] : memref<3x16x2048xf32, #tpu.memory_space<vmem>>, vector<1x16x2048xf32>
    %get3A_13 = vector.shape_cast %get3A_12 : vector<1x16x2048xf32> to vector<16x2048xf32>
    %iota3A = tpu.iota {dimensions = array<i32: 1>} : vector<16x2048xi32>
    %iota3A_14 = tpu.iota {dimensions = array<i32: 1>} : vector<16x512xi32>
    %iota3A_15 = tpu.iota {dimensions = array<i32: 0>} : vector<16x512xi32>
    %mul3A = arith.constant 1024 : i32
    %mul3A_16 = vector.broadcast %mul3A : i32 to vector<16x512xi32>
    %mul3A_17 = arith.muli %iota3A_15, %mul3A_16 : vector<16x512xi32>
    %add3A = arith.addi %mul3A_17, %iota3A_14 : vector<16x512xi32>
    %broadcast_in_dim3A = arith.constant 1.000000e+10 : f32
    %broadcast_in_dim3A_18 = vector.broadcast %broadcast_in_dim3A : f32 to vector<16x2048xf32>
    %broadcast_in_dim3A_19 = arith.constant 0 : i32
    %broadcast_in_dim3A_20 = vector.broadcast %broadcast_in_dim3A_19 : i32 to vector<16x1xi32>
    %broadcast_in_dim3A_21 = arith.constant 0 : i32
    %broadcast_in_dim3A_22 = vector.broadcast %broadcast_in_dim3A_21 : i32 to vector<16x512xi32>
    %broadcast_in_dim3A_23 = arith.constant 0.000000e+00 : f32
    %broadcast_in_dim3A_24 = vector.broadcast %broadcast_in_dim3A_23 : f32 to vector<16x512xf32>
    %broadcast_in_dim3A_25 = arith.constant 0.000000e+00 : f32
    %broadcast_in_dim3A_26 = vector.broadcast %broadcast_in_dim3A_25 : f32 to vector<16x512xf32>
    %broadcast_in_dim3A_27 = arith.constant 0.000000e+00 : f32
    %broadcast_in_dim3A_28 = vector.broadcast %broadcast_in_dim3A_27 : f32 to vector<16x512xf32>
    %scan3A = arith.constant 0 : i32
    %scan3A_29 = arith.constant 512 : i32
    %scan3A_30 = arith.addi %scan3A, %scan3A_29 : i32
    %scan3A_31 = arith.constant 1 : i32
    %scan3A_32:6 = scf.for %scan3A_54 = %scan3A to %scan3A_30 step %scan3A_31 iter_args(%scan3A_55 = %broadcast_in_dim3A_18, %scan3A_56 = %broadcast_in_dim3A_20, %scan3A_57 = %broadcast_in_dim3A_22, %scan3A_58 = %broadcast_in_dim3A_24, %scan3A_59 = %broadcast_in_dim3A_26, %scan3A_60 = %broadcast_in_dim3A_28) -> (vector<16x2048xf32>, vector<16x1xi32>, vector<16x512xi32>, vector<16x512xf32>, vector<16x512xf32>, vector<16x512xf32>)  : i32 {
      %eq3A = vector.broadcast %scan3A_56 : vector<16x1xi32> to vector<16x2048xi32>
      %eq3A_61 = arith.cmpi eq, %iota3A, %eq3A : vector<16x2048xi32>
      %jit3A = arith.constant 0.000000e+00 : f32
      %broadcast_in_dim3A_62 = vector.broadcast %jit3A : f32 to vector<16x2048xf32>
      %select_n3A = arith.select %eq3A_61, %get3A_3, %broadcast_in_dim3A_62 : vector<16x2048xi1>, vector<16x2048xf32>
      %reduce_sum3A = arith.constant dense<0.000000e+00> : vector<16xf32>
      %reduce_sum3A_63 = vector.multi_reduction <add>, %select_n3A, %reduce_sum3A [1] : vector<16x2048xf32> to vector<16xf32>
      %broadcast_in_dim3A_64 = vector.shape_cast %reduce_sum3A_63 : vector<16xf32> to vector<16x1xf32>
      %jit3A_65 = arith.constant 0.000000e+00 : f32
      %broadcast_in_dim3A_66 = vector.broadcast %jit3A_65 : f32 to vector<16x2048xf32>
      %select_n3A_67 = arith.select %eq3A_61, %get3A_8, %broadcast_in_dim3A_66 : vector<16x2048xi1>, vector<16x2048xf32>
      %reduce_sum3A_68 = arith.constant dense<0.000000e+00> : vector<16xf32>
      %reduce_sum3A_69 = vector.multi_reduction <add>, %select_n3A_67, %reduce_sum3A_68 [1] : vector<16x2048xf32> to vector<16xf32>
      %broadcast_in_dim3A_70 = vector.shape_cast %reduce_sum3A_69 : vector<16xf32> to vector<16x1xf32>
      %jit3A_71 = arith.constant 0.000000e+00 : f32
      %broadcast_in_dim3A_72 = vector.broadcast %jit3A_71 : f32 to vector<16x2048xf32>
      %select_n3A_73 = arith.select %eq3A_61, %get3A_13, %broadcast_in_dim3A_72 : vector<16x2048xi1>, vector<16x2048xf32>
      %reduce_sum3A_74 = arith.constant dense<0.000000e+00> : vector<16xf32>
      %reduce_sum3A_75 = vector.multi_reduction <add>, %select_n3A_73, %reduce_sum3A_74 [1] : vector<16x2048xf32> to vector<16xf32>
      %broadcast_in_dim3A_76 = vector.shape_cast %reduce_sum3A_75 : vector<16xf32> to vector<16x1xf32>
      %mul3A_77 = arith.constant 1024 : i32
      %mul3A_78 = vector.broadcast %mul3A_77 : i32 to vector<16x512xi32>
      %mul3A_79 = arith.muli %iota3A_15, %mul3A_78 : vector<16x512xi32>
      %add3A_80 = vector.broadcast %scan3A_54 : i32 to vector<16x512xi32>
      %add3A_81 = arith.addi %mul3A_79, %add3A_80 : vector<16x512xi32>
      %eq3A_82 = arith.cmpi eq, %add3A, %add3A_81 : vector<16x512xi32>
      %broadcast_in_dim3A_83 = vector.shape_cast %scan3A_56 : vector<16x1xi32> to vector<16x1xi32>
      %broadcast_in_dim3A_84 = vector.broadcast %broadcast_in_dim3A_83 : vector<16x1xi32> to vector<16x512xi32>
      %select_n3A_85 = arith.select %eq3A_82, %broadcast_in_dim3A_84, %scan3A_57 : vector<16x512xi1>, vector<16x512xi32>
      %broadcast_in_dim3A_86 = vector.shape_cast %broadcast_in_dim3A_64 : vector<16x1xf32> to vector<16x1xf32>
      %broadcast_in_dim3A_87 = vector.broadcast %broadcast_in_dim3A_86 : vector<16x1xf32> to vector<16x512xf32>
      %select_n3A_88 = arith.select %eq3A_82, %broadcast_in_dim3A_87, %scan3A_58 : vector<16x512xi1>, vector<16x512xf32>
      %broadcast_in_dim3A_89 = vector.shape_cast %broadcast_in_dim3A_70 : vector<16x1xf32> to vector<16x1xf32>
      %broadcast_in_dim3A_90 = vector.broadcast %broadcast_in_dim3A_89 : vector<16x1xf32> to vector<16x512xf32>
      %select_n3A_91 = arith.select %eq3A_82, %broadcast_in_dim3A_90, %scan3A_59 : vector<16x512xi1>, vector<16x512xf32>
      %broadcast_in_dim3A_92 = vector.shape_cast %broadcast_in_dim3A_76 : vector<16x1xf32> to vector<16x1xf32>
      %broadcast_in_dim3A_93 = vector.broadcast %broadcast_in_dim3A_92 : vector<16x1xf32> to vector<16x512xf32>
      %select_n3A_94 = arith.select %eq3A_82, %broadcast_in_dim3A_93, %scan3A_60 : vector<16x512xi1>, vector<16x512xf32>
      %sub3A = vector.broadcast %broadcast_in_dim3A_64 : vector<16x1xf32> to vector<16x2048xf32>
      %sub3A_95 = arith.subf %get3A_3, %sub3A : vector<16x2048xf32>
      %sub3A_96 = vector.broadcast %broadcast_in_dim3A_70 : vector<16x1xf32> to vector<16x2048xf32>
      %sub3A_97 = arith.subf %get3A_8, %sub3A_96 : vector<16x2048xf32>
      %sub3A_98 = vector.broadcast %broadcast_in_dim3A_76 : vector<16x1xf32> to vector<16x2048xf32>
      %sub3A_99 = arith.subf %get3A_13, %sub3A_98 : vector<16x2048xf32>
      %mul3A_100 = arith.mulf %sub3A_95, %sub3A_95 : vector<16x2048xf32>
      %mul3A_101 = arith.mulf %sub3A_97, %sub3A_97 : vector<16x2048xf32>
      %add3A_102 = arith.addf %mul3A_100, %mul3A_101 : vector<16x2048xf32>
      %mul3A_103 = arith.mulf %sub3A_99, %sub3A_99 : vector<16x2048xf32>
      %add3A_104 = arith.addf %add3A_102, %mul3A_103 : vector<16x2048xf32>
      %min3A = arith.minimumf %scan3A_55, %add3A_104 : vector<16x2048xf32>
      %reduce_max3A = arith.constant dense<0xFF800000> : vector<16xf32>
      %reduce_max3A_105 = vector.multi_reduction <maximumf>, %min3A, %reduce_max3A [1] : vector<16x2048xf32> to vector<16xf32>
      %broadcast_in_dim3A_106 = vector.shape_cast %reduce_max3A_105 : vector<16xf32> to vector<16x1xf32>
      %eq3A_107 = vector.broadcast %broadcast_in_dim3A_106 : vector<16x1xf32> to vector<16x2048xf32>
      %eq3A_108 = arith.cmpf oeq, %min3A, %eq3A_107 : vector<16x2048xf32>
      %jit3A_109 = arith.constant 2048 : i32
      %broadcast_in_dim3A_110 = vector.broadcast %jit3A_109 : i32 to vector<16x2048xi32>
      %select_n3A_111 = arith.select %eq3A_108, %iota3A, %broadcast_in_dim3A_110 : vector<16x2048xi1>, vector<16x2048xi32>
      %reduce_min3A = arith.constant dense<2147483647> : vector<16xi32>
      %reduce_min3A_112 = vector.multi_reduction <minsi>, %select_n3A_111, %reduce_min3A [1] : vector<16x2048xi32> to vector<16xi32>
      %broadcast_in_dim3A_113 = vector.shape_cast %reduce_min3A_112 : vector<16xi32> to vector<16x1xi32>
      scf.yield %min3A, %broadcast_in_dim3A_113, %select_n3A_85, %select_n3A_88, %select_n3A_91, %select_n3A_94 : vector<16x2048xf32>, vector<16x1xi32>, vector<16x512xi32>, vector<16x512xf32>, vector<16x512xf32>, vector<16x512xf32>
    }
    %scan3A_33 = arith.constant 512 : i32
    %swap3A = arith.constant 0 : index
    %swap3A_34 = arith.constant 0 : index
    %swap3A_35 = vector.load %arg1[%swap3A, %swap3A_34] : memref<16x512xi32, #tpu.memory_space<vmem>>, vector<16x512xi32>
    tpu.vector_store %arg1[%swap3A, %swap3A_34], %scan3A_32#2 {strides = array<i32>} : memref<16x512xi32, #tpu.memory_space<vmem>>, vector<16x512xi32>,
    %swap3A_36 = arith.constant 0 : index
    %swap3A_37 = arith.constant 0 : index
    %swap3A_38 = arith.constant 0 : index
    %swap3A_39 = vector.load %arg2[%swap3A_36, %swap3A_37, %swap3A_38] : memref<3x16x512xf32, #tpu.memory_space<vmem>>, vector<1x16x512xf32>
    %swap3A_40 = vector.shape_cast %swap3A_39 : vector<1x16x512xf32> to vector<16x512xf32>
    %swap3A_41 = vector.shape_cast %scan3A_32#3 : vector<16x512xf32> to vector<1x16x512xf32>
    tpu.vector_store %arg2[%swap3A_36, %swap3A_37, %swap3A_38], %swap3A_41 {strides = array<i32>} : memref<3x16x512xf32, #tpu.memory_space<vmem>>, vector<1x16x512xf32>,
    %swap3A_42 = arith.constant 1 : index
    %swap3A_43 = arith.constant 0 : index
    %swap3A_44 = arith.constant 0 : index
    %swap3A_45 = vector.load %arg2[%swap3A_42, %swap3A_43, %swap3A_44] : memref<3x16x512xf32, #tpu.memory_space<vmem>>, vector<1x16x512xf32>
    %swap3A_46 = vector.shape_cast %swap3A_45 : vector<1x16x512xf32> to vector<16x512xf32>
    %swap3A_47 = vector.shape_cast %scan3A_32#4 : vector<16x512xf32> to vector<1x16x512xf32>
    tpu.vector_store %arg2[%swap3A_42, %swap3A_43, %swap3A_44], %swap3A_47 {strides = array<i32>} : memref<3x16x512xf32, #tpu.memory_space<vmem>>, vector<1x16x512xf32>,
    %swap3A_48 = arith.constant 2 : index
    %swap3A_49 = arith.constant 0 : index
    %swap3A_50 = arith.constant 0 : index
    %swap3A_51 = vector.load %arg2[%swap3A_48, %swap3A_49, %swap3A_50] : memref<3x16x512xf32, #tpu.memory_space<vmem>>, vector<1x16x512xf32>
    %swap3A_52 = vector.shape_cast %swap3A_51 : vector<1x16x512xf32> to vector<16x512xf32>
    %swap3A_53 = vector.shape_cast %scan3A_32#5 : vector<16x512xf32> to vector<1x16x512xf32>
    tpu.vector_store %arg2[%swap3A_48, %swap3A_49, %swap3A_50], %swap3A_53 {strides = array<i32>} : memref<3x16x512xf32, #tpu.memory_space<vmem>>, vector<1x16x512xf32>,
    return
  }
}

module attributes {stable_mosaic.version = 14 : i64} {
  func.func @_knn_kernel(%arg0: i32, %arg1: i32, %arg2: memref<1x3x2048xf32, #tpu.memory_space<vmem>>, %arg3: memref<1x128x3xf32, #tpu.memory_space<vmem>>, %arg4: memref<1x128x1xf32, #tpu.memory_space<vmem>>, %arg5: memref<1x128x24xi32, #tpu.memory_space<vmem>>) attributes {dimension_semantics = [#tpu.dimension_semantics<arbitrary>, #tpu.dimension_semantics<arbitrary>], iteration_bounds = array<i64: 16, 4>, scalar_prefetch = 0 : i64, scratch_operands = 0 : i64, tpu.core_type = #tpu.core_type<tc>, window_params = [{transform_indices = @transform_0, window_bounds = array<i64: 1, 3, 2048>}, {transform_indices = @transform_1, window_bounds = array<i64: 1, 128, 3>}, {transform_indices = @transform_2, window_bounds = array<i64: 1, 128, 1>}, {transform_indices = @transform_3, window_bounds = array<i64: 1, 128, 24>}]} {
    %get3A = arith.constant 0 : index
    %get3A_0 = arith.constant 0 : index
    %get3A_1 = arith.constant 0 : index
    %get3A_2 = vector.load %arg2[%get3A, %get3A_0, %get3A_1] : memref<1x3x2048xf32, #tpu.memory_space<vmem>>, vector<1x3x2048xf32>
    %get3A_3 = vector.shape_cast %get3A_2 : vector<1x3x2048xf32> to vector<3x2048xf32>
    %slice3A = vector.extract_strided_slice %get3A_3 {offsets = [0, 0], sizes = [1, 2048], strides = [1, 1]} : vector<3x2048xf32> to vector<1x2048xf32>
    %slice3A_4 = vector.extract_strided_slice %get3A_3 {offsets = [1, 0], sizes = [1, 2048], strides = [1, 1]} : vector<3x2048xf32> to vector<1x2048xf32>
    %slice3A_5 = vector.extract_strided_slice %get3A_3 {offsets = [2, 0], sizes = [1, 2048], strides = [1, 1]} : vector<3x2048xf32> to vector<1x2048xf32>
    %get3A_6 = arith.constant 0 : index
    %get3A_7 = arith.constant 0 : index
    %get3A_8 = arith.constant 0 : index
    %get3A_9 = vector.load %arg3[%get3A_6, %get3A_7, %get3A_8] : memref<1x128x3xf32, #tpu.memory_space<vmem>>, vector<1x128x3xf32>
    %get3A_10 = vector.shape_cast %get3A_9 : vector<1x128x3xf32> to vector<128x3xf32>
    %slice3A_11 = vector.extract_strided_slice %get3A_10 {offsets = [0, 0], sizes = [128, 1], strides = [1, 1]} : vector<128x3xf32> to vector<128x1xf32>
    %slice3A_12 = vector.extract_strided_slice %get3A_10 {offsets = [0, 1], sizes = [128, 1], strides = [1, 1]} : vector<128x3xf32> to vector<128x1xf32>
    %slice3A_13 = vector.extract_strided_slice %get3A_10 {offsets = [0, 2], sizes = [128, 1], strides = [1, 1]} : vector<128x3xf32> to vector<128x1xf32>
    %mul3A = arith.mulf %slice3A, %slice3A : vector<1x2048xf32>
    %mul3A_14 = arith.mulf %slice3A_4, %slice3A_4 : vector<1x2048xf32>
    %add3A = arith.addf %mul3A, %mul3A_14 : vector<1x2048xf32>
    %mul3A_15 = arith.mulf %slice3A_5, %slice3A_5 : vector<1x2048xf32>
    %add3A_16 = arith.addf %add3A, %mul3A_15 : vector<1x2048xf32>
    %get3A_17 = arith.constant 0 : index
    %get3A_18 = arith.constant 0 : index
    %get3A_19 = arith.constant 0 : index
    %get3A_20 = vector.load %arg4[%get3A_17, %get3A_18, %get3A_19] : memref<1x128x1xf32, #tpu.memory_space<vmem>>, vector<1x128x1xf32>
    %get3A_21 = vector.shape_cast %get3A_20 : vector<1x128x1xf32> to vector<128x1xf32>
    %bitcast_convert_type3A = tpu.bitcast %slice3A_11 : vector<128x1xf32> -> vector<128x1xi32>
    %add3A_22 = arith.constant 32767 : i32
    %add3A_23 = vector.broadcast %add3A_22 : i32 to vector<128x1xi32>
    %add3A_24 = arith.addi %bitcast_convert_type3A, %add3A_23 : vector<128x1xi32>
    %shift_right_logical3A = arith.constant 16 : i32
    %shift_right_logical3A_25 = vector.broadcast %shift_right_logical3A : i32 to vector<128x1xi32>
    %shift_right_logical3A_26 = arith.shrui %bitcast_convert_type3A, %shift_right_logical3A_25 : vector<128x1xi32>
    %and3A = arith.constant 1 : i32
    %and3A_27 = vector.broadcast %and3A : i32 to vector<128x1xi32>
    %and3A_28 = arith.andi %shift_right_logical3A_26, %and3A_27 : vector<128x1xi32>
    %add3A_29 = arith.addi %add3A_24, %and3A_28 : vector<128x1xi32>
    %and3A_30 = arith.constant -65536 : i32
    %and3A_31 = vector.broadcast %and3A_30 : i32 to vector<128x1xi32>
    %and3A_32 = arith.andi %add3A_29, %and3A_31 : vector<128x1xi32>
    %bitcast_convert_type3A_33 = tpu.bitcast %and3A_32 : vector<128x1xi32> -> vector<128x1xf32>
    %bitcast_convert_type3A_34 = tpu.bitcast %slice3A : vector<1x2048xf32> -> vector<1x2048xi32>
    %add3A_35 = arith.constant 32767 : i32
    %add3A_36 = vector.broadcast %add3A_35 : i32 to vector<1x2048xi32>
    %add3A_37 = arith.addi %bitcast_convert_type3A_34, %add3A_36 : vector<1x2048xi32>
    %shift_right_logical3A_38 = arith.constant 16 : i32
    %shift_right_logical3A_39 = vector.broadcast %shift_right_logical3A_38 : i32 to vector<1x2048xi32>
    %shift_right_logical3A_40 = arith.shrui %bitcast_convert_type3A_34, %shift_right_logical3A_39 : vector<1x2048xi32>
    %and3A_41 = arith.constant 1 : i32
    %and3A_42 = vector.broadcast %and3A_41 : i32 to vector<1x2048xi32>
    %and3A_43 = arith.andi %shift_right_logical3A_40, %and3A_42 : vector<1x2048xi32>
    %add3A_44 = arith.addi %add3A_37, %and3A_43 : vector<1x2048xi32>
    %and3A_45 = arith.constant -65536 : i32
    %and3A_46 = vector.broadcast %and3A_45 : i32 to vector<1x2048xi32>
    %and3A_47 = arith.andi %add3A_44, %and3A_46 : vector<1x2048xi32>
    %bitcast_convert_type3A_48 = tpu.bitcast %and3A_47 : vector<1x2048xi32> -> vector<1x2048xf32>
    %mul3A_49 = vector.broadcast %bitcast_convert_type3A_33 : vector<128x1xf32> to vector<128x2048xf32>
    %mul3A_50 = vector.broadcast %bitcast_convert_type3A_48 : vector<1x2048xf32> to vector<128x2048xf32>
    %mul3A_51 = arith.mulf %mul3A_49, %mul3A_50 : vector<128x2048xf32>
    %bitcast_convert_type3A_52 = tpu.bitcast %slice3A_12 : vector<128x1xf32> -> vector<128x1xi32>
    %add3A_53 = arith.constant 32767 : i32
    %add3A_54 = vector.broadcast %add3A_53 : i32 to vector<128x1xi32>
    %add3A_55 = arith.addi %bitcast_convert_type3A_52, %add3A_54 : vector<128x1xi32>
    %shift_right_logical3A_56 = arith.constant 16 : i32
    %shift_right_logical3A_57 = vector.broadcast %shift_right_logical3A_56 : i32 to vector<128x1xi32>
    %shift_right_logical3A_58 = arith.shrui %bitcast_convert_type3A_52, %shift_right_logical3A_57 : vector<128x1xi32>
    %and3A_59 = arith.constant 1 : i32
    %and3A_60 = vector.broadcast %and3A_59 : i32 to vector<128x1xi32>
    %and3A_61 = arith.andi %shift_right_logical3A_58, %and3A_60 : vector<128x1xi32>
    %add3A_62 = arith.addi %add3A_55, %and3A_61 : vector<128x1xi32>
    %and3A_63 = arith.constant -65536 : i32
    %and3A_64 = vector.broadcast %and3A_63 : i32 to vector<128x1xi32>
    %and3A_65 = arith.andi %add3A_62, %and3A_64 : vector<128x1xi32>
    %bitcast_convert_type3A_66 = tpu.bitcast %and3A_65 : vector<128x1xi32> -> vector<128x1xf32>
    %bitcast_convert_type3A_67 = tpu.bitcast %slice3A_4 : vector<1x2048xf32> -> vector<1x2048xi32>
    %add3A_68 = arith.constant 32767 : i32
    %add3A_69 = vector.broadcast %add3A_68 : i32 to vector<1x2048xi32>
    %add3A_70 = arith.addi %bitcast_convert_type3A_67, %add3A_69 : vector<1x2048xi32>
    %shift_right_logical3A_71 = arith.constant 16 : i32
    %shift_right_logical3A_72 = vector.broadcast %shift_right_logical3A_71 : i32 to vector<1x2048xi32>
    %shift_right_logical3A_73 = arith.shrui %bitcast_convert_type3A_67, %shift_right_logical3A_72 : vector<1x2048xi32>
    %and3A_74 = arith.constant 1 : i32
    %and3A_75 = vector.broadcast %and3A_74 : i32 to vector<1x2048xi32>
    %and3A_76 = arith.andi %shift_right_logical3A_73, %and3A_75 : vector<1x2048xi32>
    %add3A_77 = arith.addi %add3A_70, %and3A_76 : vector<1x2048xi32>
    %and3A_78 = arith.constant -65536 : i32
    %and3A_79 = vector.broadcast %and3A_78 : i32 to vector<1x2048xi32>
    %and3A_80 = arith.andi %add3A_77, %and3A_79 : vector<1x2048xi32>
    %bitcast_convert_type3A_81 = tpu.bitcast %and3A_80 : vector<1x2048xi32> -> vector<1x2048xf32>
    %mul3A_82 = vector.broadcast %bitcast_convert_type3A_66 : vector<128x1xf32> to vector<128x2048xf32>
    %mul3A_83 = vector.broadcast %bitcast_convert_type3A_81 : vector<1x2048xf32> to vector<128x2048xf32>
    %mul3A_84 = arith.mulf %mul3A_82, %mul3A_83 : vector<128x2048xf32>
    %add3A_85 = arith.addf %mul3A_51, %mul3A_84 : vector<128x2048xf32>
    %bitcast_convert_type3A_86 = tpu.bitcast %slice3A_13 : vector<128x1xf32> -> vector<128x1xi32>
    %add3A_87 = arith.constant 32767 : i32
    %add3A_88 = vector.broadcast %add3A_87 : i32 to vector<128x1xi32>
    %add3A_89 = arith.addi %bitcast_convert_type3A_86, %add3A_88 : vector<128x1xi32>
    %shift_right_logical3A_90 = arith.constant 16 : i32
    %shift_right_logical3A_91 = vector.broadcast %shift_right_logical3A_90 : i32 to vector<128x1xi32>
    %shift_right_logical3A_92 = arith.shrui %bitcast_convert_type3A_86, %shift_right_logical3A_91 : vector<128x1xi32>
    %and3A_93 = arith.constant 1 : i32
    %and3A_94 = vector.broadcast %and3A_93 : i32 to vector<128x1xi32>
    %and3A_95 = arith.andi %shift_right_logical3A_92, %and3A_94 : vector<128x1xi32>
    %add3A_96 = arith.addi %add3A_89, %and3A_95 : vector<128x1xi32>
    %and3A_97 = arith.constant -65536 : i32
    %and3A_98 = vector.broadcast %and3A_97 : i32 to vector<128x1xi32>
    %and3A_99 = arith.andi %add3A_96, %and3A_98 : vector<128x1xi32>
    %bitcast_convert_type3A_100 = tpu.bitcast %and3A_99 : vector<128x1xi32> -> vector<128x1xf32>
    %bitcast_convert_type3A_101 = tpu.bitcast %slice3A_5 : vector<1x2048xf32> -> vector<1x2048xi32>
    %add3A_102 = arith.constant 32767 : i32
    %add3A_103 = vector.broadcast %add3A_102 : i32 to vector<1x2048xi32>
    %add3A_104 = arith.addi %bitcast_convert_type3A_101, %add3A_103 : vector<1x2048xi32>
    %shift_right_logical3A_105 = arith.constant 16 : i32
    %shift_right_logical3A_106 = vector.broadcast %shift_right_logical3A_105 : i32 to vector<1x2048xi32>
    %shift_right_logical3A_107 = arith.shrui %bitcast_convert_type3A_101, %shift_right_logical3A_106 : vector<1x2048xi32>
    %and3A_108 = arith.constant 1 : i32
    %and3A_109 = vector.broadcast %and3A_108 : i32 to vector<1x2048xi32>
    %and3A_110 = arith.andi %shift_right_logical3A_107, %and3A_109 : vector<1x2048xi32>
    %add3A_111 = arith.addi %add3A_104, %and3A_110 : vector<1x2048xi32>
    %and3A_112 = arith.constant -65536 : i32
    %and3A_113 = vector.broadcast %and3A_112 : i32 to vector<1x2048xi32>
    %and3A_114 = arith.andi %add3A_111, %and3A_113 : vector<1x2048xi32>
    %bitcast_convert_type3A_115 = tpu.bitcast %and3A_114 : vector<1x2048xi32> -> vector<1x2048xf32>
    %mul3A_116 = vector.broadcast %bitcast_convert_type3A_100 : vector<128x1xf32> to vector<128x2048xf32>
    %mul3A_117 = vector.broadcast %bitcast_convert_type3A_115 : vector<1x2048xf32> to vector<128x2048xf32>
    %mul3A_118 = arith.mulf %mul3A_116, %mul3A_117 : vector<128x2048xf32>
    %add3A_119 = arith.addf %add3A_85, %mul3A_118 : vector<128x2048xf32>
    %add3A_120 = vector.broadcast %get3A_21 : vector<128x1xf32> to vector<128x2048xf32>
    %add3A_121 = vector.broadcast %add3A_16 : vector<1x2048xf32> to vector<128x2048xf32>
    %add3A_122 = arith.addf %add3A_120, %add3A_121 : vector<128x2048xf32>
    %mul3A_123 = arith.constant 2.000000e+00 : f32
    %mul3A_124 = vector.broadcast %mul3A_123 : f32 to vector<128x2048xf32>
    %mul3A_125 = arith.mulf %mul3A_124, %add3A_119 : vector<128x2048xf32>
    %sub3A = arith.subf %add3A_122, %mul3A_125 : vector<128x2048xf32>
    %iota3A = tpu.iota {dimensions = array<i32: 1>} : vector<128x2048xi32>
    %iota3A_126 = tpu.iota {dimensions = array<i32: 1>} : vector<128x24xi32>
    %broadcast_in_dim3A = arith.constant 0 : i32
    %broadcast_in_dim3A_127 = vector.broadcast %broadcast_in_dim3A : i32 to vector<128x24xi32>
    %scan3A = arith.constant 0 : i32
    %scan3A_128 = arith.constant 24 : i32
    %scan3A_129 = arith.addi %scan3A, %scan3A_128 : i32
    %scan3A_130 = arith.constant 1 : i32
    %scan3A_131:2 = scf.for %scan3A_138 = %scan3A to %scan3A_129 step %scan3A_130 iter_args(%scan3A_139 = %sub3A, %scan3A_140 = %broadcast_in_dim3A_127) -> (vector<128x2048xf32>, vector<128x24xi32>)  : i32 {
      %reduce_min3A = arith.constant dense<0x7F800000> : vector<128xf32>
      %reduce_min3A_141 = vector.multi_reduction <minimumf>, %scan3A_139, %reduce_min3A [1] : vector<128x2048xf32> to vector<128xf32>
      %broadcast_in_dim3A_142 = vector.shape_cast %reduce_min3A_141 : vector<128xf32> to vector<128x1xf32>
      %le3A = vector.broadcast %broadcast_in_dim3A_142 : vector<128x1xf32> to vector<128x2048xf32>
      %le3A_143 = arith.cmpf ole, %scan3A_139, %le3A : vector<128x2048xf32>
      %jit3A = arith.constant 2048 : i32
      %broadcast_in_dim3A_144 = vector.broadcast %jit3A : i32 to vector<128x2048xi32>
      %select_n3A = arith.select %le3A_143, %iota3A, %broadcast_in_dim3A_144 : vector<128x2048xi1>, vector<128x2048xi32>
      %reduce_min3A_145 = arith.constant dense<2147483647> : vector<128xi32>
      %reduce_min3A_146 = vector.multi_reduction <minsi>, %select_n3A, %reduce_min3A_145 [1] : vector<128x2048xi32> to vector<128xi32>
      %broadcast_in_dim3A_147 = vector.shape_cast %reduce_min3A_146 : vector<128xi32> to vector<128x1xi32>
      %eq3A = vector.broadcast %scan3A_138 : i32 to vector<128x24xi32>
      %eq3A_148 = arith.cmpi eq, %iota3A_126, %eq3A : vector<128x24xi32>
      %broadcast_in_dim3A_149 = vector.shape_cast %broadcast_in_dim3A_147 : vector<128x1xi32> to vector<128x1xi32>
      %broadcast_in_dim3A_150 = vector.broadcast %broadcast_in_dim3A_149 : vector<128x1xi32> to vector<128x24xi32>
      %select_n3A_151 = arith.select %eq3A_148, %broadcast_in_dim3A_150, %scan3A_140 : vector<128x24xi1>, vector<128x24xi32>
      %eq3A_152 = vector.broadcast %broadcast_in_dim3A_147 : vector<128x1xi32> to vector<128x2048xi32>
      %eq3A_153 = arith.cmpi eq, %iota3A, %eq3A_152 : vector<128x2048xi32>
      %jit3A_154 = arith.constant 1.000000e+30 : f32
      %broadcast_in_dim3A_155 = vector.broadcast %jit3A_154 : f32 to vector<128x2048xf32>
      %select_n3A_156 = arith.select %eq3A_153, %broadcast_in_dim3A_155, %scan3A_139 : vector<128x2048xi1>, vector<128x2048xf32>
      scf.yield %select_n3A_156, %select_n3A_151 : vector<128x2048xf32>, vector<128x24xi32>
    }
    %scan3A_132 = arith.constant 24 : i32
    %swap3A = arith.constant 0 : index
    %swap3A_133 = arith.constant 0 : index
    %swap3A_134 = arith.constant 0 : index
    %swap3A_135 = vector.load %arg5[%swap3A, %swap3A_133, %swap3A_134] : memref<1x128x24xi32, #tpu.memory_space<vmem>>, vector<1x128x24xi32>
    %swap3A_136 = vector.shape_cast %swap3A_135 : vector<1x128x24xi32> to vector<128x24xi32>
    %swap3A_137 = vector.shape_cast %scan3A_131#1 : vector<128x24xi32> to vector<1x128x24xi32>
    tpu.vector_store %arg5[%swap3A, %swap3A_133, %swap3A_134], %swap3A_137 {strides = array<i32>} : memref<1x128x24xi32, #tpu.memory_space<vmem>>, vector<1x128x24xi32>,
    return
  }
  func.func @transform_0(%arg0: i32, %arg1: i32) -> (i32, i32, i32) {
    %c0_i32 = arith.constant 0 : i32
    %c0_i32_0 = arith.constant 0 : i32
    %c0_i32_1 = arith.constant 0 : i32
    return %arg0, %c0_i32, %c0_i32_0 : i32, i32, i32
  }
  func.func @transform_1(%arg0: i32, %arg1: i32) -> (i32, i32, i32) {
    %c0_i32 = arith.constant 0 : i32
    %c0_i32_0 = arith.constant 0 : i32
    return %arg0, %arg1, %c0_i32 : i32, i32, i32
  }
  func.func @transform_2(%arg0: i32, %arg1: i32) -> (i32, i32, i32) {
    %c0_i32 = arith.constant 0 : i32
    %c0_i32_0 = arith.constant 0 : i32
    return %arg0, %arg1, %c0_i32 : i32, i32, i32
  }
  func.func @transform_3(%arg0: i32, %arg1: i32) -> (i32, i32, i32) {
    %c0_i32 = arith.constant 0 : i32
    %c0_i32_0 = arith.constant 0 : i32
    return %arg0, %arg1, %c0_i32 : i32, i32, i32
  }
}

module attributes {stable_mosaic.version = 14 : i64} {
  func.func @_fin_kernel(%arg0: i32, %arg1: i32, %arg2: memref<1x64x24x128xf32, #tpu.memory_space<vmem>>, %arg3: memref<1x64x128xf32, #tpu.memory_space<vmem>>, %arg4: memref<1x64x24x16xf32, #tpu.memory_space<vmem>>, %arg5: memref<32x4x16xf32, #tpu.memory_space<vmem>>, %arg6: memref<1x64x24x256xf32, #tpu.memory_space<vmem>>, %arg7: memref<1x64x24x3xf32, #tpu.memory_space<vmem>>) attributes {dimension_semantics = [#tpu.dimension_semantics<arbitrary>, #tpu.dimension_semantics<arbitrary>], iteration_bounds = array<i64: 16, 8>, scalar_prefetch = 0 : i64, scratch_operands = 0 : i64, tpu.core_type = #tpu.core_type<tc>, window_params = [{transform_indices = @transform_0, window_bounds = array<i64: 1, 64, 24, 128>}, {transform_indices = @transform_1, window_bounds = array<i64: 1, 64, 128>}, {transform_indices = @transform_2, window_bounds = array<i64: 1, 64, 24, 16>}, {pipeline_mode = #tpu.pipeline_mode<synchronous>, transform_indices = @transform_3, window_bounds = array<i64: 32, 4, 16>}, {transform_indices = @transform_4, window_bounds = array<i64: 1, 64, 24, 256>}, {transform_indices = @transform_5, window_bounds = array<i64: 1, 64, 24, 3>}]} {
    %get3A = arith.constant 0 : index
    %get3A_0 = arith.constant 0 : index
    %get3A_1 = arith.constant 0 : index
    %get3A_2 = vector.load %arg5[%get3A, %get3A_0, %get3A_1] : memref<32x4x16xf32, #tpu.memory_space<vmem>>, vector<32x4x16xf32>
    %slice3A = vector.extract_strided_slice %get3A_2 {offsets = [0, 0, 0], sizes = [32, 1, 16], strides = [1, 1, 1]} : vector<32x4x16xf32> to vector<32x1x16xf32>
    %squeeze3A = vector.shape_cast %slice3A : vector<32x1x16xf32> to vector<32x16xf32>
    %reduce_sum3A = vector.shape_cast %squeeze3A : vector<32x16xf32> to vector<1x32x16xf32>
    %reduce_sum3A_3 = arith.constant dense<0.000000e+00> : vector<1xf32>
    %reduce_sum3A_4 = vector.multi_reduction <add>, %reduce_sum3A, %reduce_sum3A_3 [1, 2] : vector<1x32x16xf32> to vector<1xf32>
    %reduce_sum3A_5 = vector.shape_cast %reduce_sum3A_4 : vector<1xf32> to vector<1x1x1xf32>
    %reduce_sum3A_6 = vector.extract %reduce_sum3A_5[0, 0, 0] : f32 from vector<1x1x1xf32>
    %slice3A_7 = vector.extract_strided_slice %get3A_2 {offsets = [0, 1, 0], sizes = [32, 1, 16], strides = [1, 1, 1]} : vector<32x4x16xf32> to vector<32x1x16xf32>
    %squeeze3A_8 = vector.shape_cast %slice3A_7 : vector<32x1x16xf32> to vector<32x16xf32>
    %reduce_sum3A_9 = vector.shape_cast %squeeze3A_8 : vector<32x16xf32> to vector<1x32x16xf32>
    %reduce_sum3A_10 = arith.constant dense<0.000000e+00> : vector<1xf32>
    %reduce_sum3A_11 = vector.multi_reduction <add>, %reduce_sum3A_9, %reduce_sum3A_10 [1, 2] : vector<1x32x16xf32> to vector<1xf32>
    %reduce_sum3A_12 = vector.shape_cast %reduce_sum3A_11 : vector<1xf32> to vector<1x1x1xf32>
    %reduce_sum3A_13 = vector.extract %reduce_sum3A_12[0, 0, 0] : f32 from vector<1x1x1xf32>
    %slice3A_14 = vector.extract_strided_slice %get3A_2 {offsets = [0, 2, 0], sizes = [32, 1, 16], strides = [1, 1, 1]} : vector<32x4x16xf32> to vector<32x1x16xf32>
    %squeeze3A_15 = vector.shape_cast %slice3A_14 : vector<32x1x16xf32> to vector<32x16xf32>
    %reduce_sum3A_16 = vector.shape_cast %squeeze3A_15 : vector<32x16xf32> to vector<1x32x16xf32>
    %reduce_sum3A_17 = arith.constant dense<0.000000e+00> : vector<1xf32>
    %reduce_sum3A_18 = vector.multi_reduction <add>, %reduce_sum3A_16, %reduce_sum3A_17 [1, 2] : vector<1x32x16xf32> to vector<1xf32>
    %reduce_sum3A_19 = vector.shape_cast %reduce_sum3A_18 : vector<1xf32> to vector<1x1x1xf32>
    %reduce_sum3A_20 = vector.extract %reduce_sum3A_19[0, 0, 0] : f32 from vector<1x1x1xf32>
    %slice3A_21 = vector.extract_strided_slice %get3A_2 {offsets = [0, 3, 0], sizes = [32, 1, 16], strides = [1, 1, 1]} : vector<32x4x16xf32> to vector<32x1x16xf32>
    %squeeze3A_22 = vector.shape_cast %slice3A_21 : vector<32x1x16xf32> to vector<32x16xf32>
    %reduce_sum3A_23 = vector.shape_cast %squeeze3A_22 : vector<32x16xf32> to vector<1x32x16xf32>
    %reduce_sum3A_24 = arith.constant dense<0.000000e+00> : vector<1xf32>
    %reduce_sum3A_25 = vector.multi_reduction <add>, %reduce_sum3A_23, %reduce_sum3A_24 [1, 2] : vector<1x32x16xf32> to vector<1xf32>
    %reduce_sum3A_26 = vector.shape_cast %reduce_sum3A_25 : vector<1xf32> to vector<1x1x1xf32>
    %reduce_sum3A_27 = vector.extract %reduce_sum3A_26[0, 0, 0] : f32 from vector<1x1x1xf32>
    %mul3A = arith.mulf %reduce_sum3A_6, %reduce_sum3A_6 : f32
    %div3A = arith.constant 0x4BC00000 : f32
    %div3A_28 = arith.divf %mul3A, %div3A : f32
    %sub3A = arith.subf %reduce_sum3A_13, %div3A_28 : f32
    %div3A_29 = arith.constant 0x4BC00000 : f32
    %div3A_30 = arith.divf %sub3A, %div3A_29 : f32
    %sqrt3A = math.sqrt %div3A_30 : f32
    %mul3A_31 = arith.mulf %reduce_sum3A_20, %reduce_sum3A_20 : f32
    %div3A_32 = arith.constant 5.898240e+05 : f32
    %div3A_33 = arith.divf %mul3A_31, %div3A_32 : f32
    %sub3A_34 = arith.subf %reduce_sum3A_27, %div3A_33 : f32
    %div3A_35 = arith.constant 5.898230e+05 : f32
    %div3A_36 = arith.divf %sub3A_34, %div3A_35 : f32
    %sqrt3A_37 = math.sqrt %div3A_36 : f32
    %get3A_38 = arith.constant 0 : index
    %get3A_39 = arith.constant 0 : index
    %get3A_40 = arith.constant 0 : index
    %get3A_41 = arith.constant 0 : index
    %get3A_42 = vector.load %arg2[%get3A_38, %get3A_39, %get3A_40, %get3A_41] : memref<1x64x24x128xf32, #tpu.memory_space<vmem>>, vector<1x64x24x128xf32>
    %get3A_43 = vector.shape_cast %get3A_42 : vector<1x64x24x128xf32> to vector<64x24x128xf32>
    %add3A = arith.constant 9.99999974E-6 : f32
    %add3A_44 = arith.addf %sqrt3A, %add3A : f32
    %div3A_45 = vector.broadcast %add3A_44 : f32 to vector<64x24x128xf32>
    %div3A_46 = arith.divf %get3A_43, %div3A_45 : vector<64x24x128xf32>
    %swap3A = arith.constant 0 : index
    %swap3A_47 = arith.constant 0 : index
    %swap3A_48 = arith.constant 0 : index
    %swap3A_49 = arith.constant 0 : index
    %swap3A_50 = vector.load %arg6[%swap3A, %swap3A_47, %swap3A_48, %swap3A_49] : memref<1x64x24x256xf32, #tpu.memory_space<vmem>>, vector<1x64x24x128xf32>
    %swap3A_51 = vector.shape_cast %swap3A_50 : vector<1x64x24x128xf32> to vector<64x24x128xf32>
    %swap3A_52 = vector.shape_cast %div3A_46 : vector<64x24x128xf32> to vector<1x64x24x128xf32>
    tpu.vector_store %arg6[%swap3A, %swap3A_47, %swap3A_48, %swap3A_49], %swap3A_52 {strides = array<i32>} : memref<1x64x24x256xf32, #tpu.memory_space<vmem>>, vector<1x64x24x128xf32>,
    %get3A_53 = arith.constant 0 : index
    %get3A_54 = arith.constant 0 : index
    %get3A_55 = arith.constant 0 : index
    %get3A_56 = vector.load %arg3[%get3A_53, %get3A_54, %get3A_55] : memref<1x64x128xf32, #tpu.memory_space<vmem>>, vector<1x64x128xf32>
    %get3A_57 = vector.shape_cast %get3A_56 : vector<1x64x128xf32> to vector<64x128xf32>
    %broadcast_in_dim3A = vector.shape_cast %get3A_57 : vector<64x128xf32> to vector<64x1x128xf32>
    %broadcast_in_dim3A_58 = vector.shape_cast %broadcast_in_dim3A : vector<64x1x128xf32> to vector<64x1x128xf32>
    %broadcast_in_dim3A_59 = vector.broadcast %broadcast_in_dim3A_58 : vector<64x1x128xf32> to vector<64x24x128xf32>
    %swap3A_60 = arith.constant 0 : index
    %swap3A_61 = arith.constant 0 : index
    %swap3A_62 = arith.constant 0 : index
    %swap3A_63 = arith.constant 128 : index
    %swap3A_64 = vector.load %arg6[%swap3A_60, %swap3A_61, %swap3A_62, %swap3A_63] : memref<1x64x24x256xf32, #tpu.memory_space<vmem>>, vector<1x64x24x128xf32>
    %swap3A_65 = vector.shape_cast %swap3A_64 : vector<1x64x24x128xf32> to vector<64x24x128xf32>
    %swap3A_66 = vector.shape_cast %broadcast_in_dim3A_59 : vector<64x24x128xf32> to vector<1x64x24x128xf32>
    tpu.vector_store %arg6[%swap3A_60, %swap3A_61, %swap3A_62, %swap3A_63], %swap3A_66 {strides = array<i32>} : memref<1x64x24x256xf32, #tpu.memory_space<vmem>>, vector<1x64x24x128xf32>,
    %get3A_67 = arith.constant 0 : index
    %get3A_68 = arith.constant 0 : index
    %get3A_69 = arith.constant 0 : index
    %get3A_70 = arith.constant 0 : index
    %get3A_71 = vector.load %arg4[%get3A_67, %get3A_68, %get3A_69, %get3A_70] : memref<1x64x24x16xf32, #tpu.memory_space<vmem>>, vector<1x64x24x16xf32>
    %get3A_72 = vector.shape_cast %get3A_71 : vector<1x64x24x16xf32> to vector<64x24x16xf32>
    %slice3A_73 = vector.extract_strided_slice %get3A_72 {offsets = [0, 0, 0], sizes = [64, 24, 3], strides = [1, 1, 1]} : vector<64x24x16xf32> to vector<64x24x3xf32>
    %add3A_74 = arith.constant 9.99999974E-6 : f32
    %add3A_75 = arith.addf %sqrt3A_37, %add3A_74 : f32
    %div3A_76 = vector.broadcast %add3A_75 : f32 to vector<64x24x3xf32>
    %div3A_77 = arith.divf %slice3A_73, %div3A_76 : vector<64x24x3xf32>
    %swap3A_78 = arith.constant 0 : index
    %swap3A_79 = arith.constant 0 : index
    %swap3A_80 = arith.constant 0 : index
    %swap3A_81 = arith.constant 0 : index
    %swap3A_82 = vector.load %arg7[%swap3A_78, %swap3A_79, %swap3A_80, %swap3A_81] : memref<1x64x24x3xf32, #tpu.memory_space<vmem>>, vector<1x64x24x3xf32>
    %swap3A_83 = vector.shape_cast %swap3A_82 : vector<1x64x24x3xf32> to vector<64x24x3xf32>
    %swap3A_84 = vector.shape_cast %div3A_77 : vector<64x24x3xf32> to vector<1x64x24x3xf32>
    tpu.vector_store %arg7[%swap3A_78, %swap3A_79, %swap3A_80, %swap3A_81], %swap3A_84 {strides = array<i32>} : memref<1x64x24x3xf32, #tpu.memory_space<vmem>>, vector<1x64x24x3xf32>,
    return
  }
  func.func @transform_0(%arg0: i32, %arg1: i32) -> (i32, i32, i32, i32) {
    %c0_i32 = arith.constant 0 : i32
    %c0_i32_0 = arith.constant 0 : i32
    %c0_i32_1 = arith.constant 0 : i32
    return %arg0, %arg1, %c0_i32, %c0_i32_0 : i32, i32, i32, i32
  }
  func.func @transform_1(%arg0: i32, %arg1: i32) -> (i32, i32, i32) {
    %c0_i32 = arith.constant 0 : i32
    %c0_i32_0 = arith.constant 0 : i32
    return %arg0, %arg1, %c0_i32 : i32, i32, i32
  }
  func.func @transform_2(%arg0: i32, %arg1: i32) -> (i32, i32, i32, i32) {
    %c0_i32 = arith.constant 0 : i32
    %c0_i32_0 = arith.constant 0 : i32
    %c0_i32_1 = arith.constant 0 : i32
    return %arg0, %arg1, %c0_i32, %c0_i32_0 : i32, i32, i32, i32
  }
  func.func @transform_3(%arg0: i32, %arg1: i32) -> (i32, i32, i32) {
    %c0_i32 = arith.constant 0 : i32
    %c0_i32_0 = arith.constant 0 : i32
    %c0_i32_1 = arith.constant 0 : i32
    %c0_i32_2 = arith.constant 0 : i32
    return %c0_i32, %c0_i32_0, %c0_i32_1 : i32, i32, i32
  }
  func.func @transform_4(%arg0: i32, %arg1: i32) -> (i32, i32, i32, i32) {
    %c0_i32 = arith.constant 0 : i32
    %c0_i32_0 = arith.constant 0 : i32
    %c0_i32_1 = arith.constant 0 : i32
    return %arg0, %arg1, %c0_i32, %c0_i32_0 : i32, i32, i32, i32
  }
  func.func @transform_5(%arg0: i32, %arg1: i32) -> (i32, i32, i32, i32) {
    %c0_i32 = arith.constant 0 : i32
    %c0_i32_0 = arith.constant 0 : i32
    %c0_i32_1 = arith.constant 0 : i32
    return %arg0, %arg1, %c0_i32, %c0_i32_0 : i32, i32, i32, i32
  }
}

</mosaic_0001>

<sc_bundles>
// kernel: kernel.6.cloned.1.call-start
scs
__scs_entry_jumppad:
0x0: {  	(pc) =	sbr.rel $0x88, $3  }
0x1: {  	(tag) =	ssettag $0x0;
	lr =	simm.s32 $0x1  }
0x2: {  	[smem:$0x3F9F] =	sst lr;
	_ =	strace $0xD0000000  }
0x3: {  	_ = 	snop  }
0x4: {  	_ = 	snop  }
0x5: {  	_ = 	snop  }
0x6: {  	_ = 	snop  }
0x7: {  	_ = 	snop  }
__scs_overlays_trampoline_lowered:
0x8: {  	[smem:$0x3FAE] =	sst s0  }
0x9: {  	[smem:$0x3FAF] =	sst s1  }
0xa: {  	[smem:$0x3FB0] =	sst s2  }
0xb: {  	[smem:$0x3FB1] =	sst s3  }
0xc: {  	[smem:$0x3FB2] =	sst s4  }
0xd: {  	[smem:$0x3FB3] =	sst s5  }
0xe: {  	[smem:$0x3FB4] =	sst s6  }
0xf: {  	[smem:$0x3FB5] =	sst s7  }
0x10: {  	[smem:$0x3FB6] =	sst s8  }
0x11: {  	[smem:$0x3FB7] =	sst s9;
	s0 =	simm.s32 @!p0 $0x0  }
0x12: {  	s1 =	sld [smem:$0x3F9D];
	s0 =	simm.s32 @p0 $0x1  }
0x13: {  	[smem:$0x3FB8] =	sst s0;
	s0 =	simm.s32 @!p1 $0x0  }
0x14: {  	s2 =	sld [smem:$0x3F9C];
	s0 =	simm.s32 @p1 $0x1  }
0x15: {  	[smem:$0x3FB9] =	sst s0;
	s0 =	simm.s32 @!p2 $0x0  }
0x16: {  	s3 =	sld [smem:$0x3FDB];
	s0 =	simm.s32 @p2 $0x1  }
0x17: {  	s4 =	simm.s32 $0x1BF5;
	[smem:$0x3FBB] =	sst s0  }
0x18: {  	s0 =	sld [smem:$0x3F9E];
	_ =	swait.ge [sflag:s4], $0x0  }
0x19: {  	s7 =	sld [smem:$0x3F9F]  }
0x1a: {  	s8 =	sadd.s32 $0xFFFFE003, lr  }
0x1b: {  	s9 =	sadd.s32 $0xFFFFFEF7, lr;
	s5 =	simm.s32 $0xFFFFFFFF;
	p2 =	slt.u32 s8, $0xFFFFF086  }
0x1c: {  	p1 =	slt.u32 s9, $0xF7A;
	s5 =	simm.s32 @!p2 $0x0  }
0x1d: {  	s5 =	simm.s32 @p1 $0x1;
	p0 =	seq.s32 s7, s2  }
0x1e: {  	s7 =	smul.u32 @!p0 $0xF7A, s2;
	p2 =	seq.s32 @!p0 s5, $0x0  }
0x1f: {  	s9 =	smul.u32 $0xF7A, s1;
	s8 =	simm.s32 @!p0 $0x1BF5;
	p2 =	por !p2, p0  }
0x20: {  	[sflag:s8] =	ssyncset.s32 @!p0 $0xFFFFF086;
	s6 =	sadd.s32 @!p0 s3, s7;
	s7 =	simm.s32 @!p0 $0x108  }
0x21: {  	s3 =	sadd.s32 s3, s9;
	s6 =	sadd.s32 @!p0 $0x88, s6;
	s7 =	simm.s32 @p2 $0x1082  }
0x22: {  	[simem:s7], [sflag:s8] =	dma.local @!p0 [hbm:s6], $0xF7A  }
0x23: {  	s9 =	sor.u32 $0xD0000000, s2;
	s6 =	simm.s32 $0x108;
	_ =	swait.ge @!p0 [sflag:s8], $0x0  }
0x24: {  	s3 =	sadd.s32 $0x88, s3;
	s6 =	simm.s32 @!p1 $0x1082;
	[sflag:s4] =	ssyncset.s32 $0xFFFFF086  }
0x25: {  	[simem:s6], [sflag:s4] =	dma.local [hbm:s3], $0xF7A  }
0x26: {  	[smem:$0x3F9F] =	sst s1;
	(tag) =	ssettag s2;
	_ =	strace s9  }
0x27: {  	s1 =	sld [smem:$0x3FAF]  }
0x28: {  	s2 =	sld [smem:$0x3FB0]  }
0x29: {  	s4 =	sld [smem:$0x3FB2]  }
0x2a: {  	p0 =	seq.s32 s5, $0x0;
	s5 =	sld [smem:$0x3FB3]  }
0x2b: {  	s6 =	sld [smem:$0x3FB4]  }
0x2c: {  	s7 =	sld [smem:$0x3FB5]  }
0x2d: {  	s3 =	simm.s32 $0x108;
	s8 =	sld [smem:$0x3FB6]  }
0x2e: {  	s3 =	simm.s32 @!p0 $0x1082;
	s9 =	sld [smem:$0x3FB7]  }
0x2f: {  	lr =	sadd.s32 s0, s3;
	s0 =	sld [smem:$0x3FAE]  }
0x30: {  	s3 =	sld [smem:$0x3FB1]  }
0x31: {  	[smem:$0x3FBA] =	sst s10  }
0x32: {  	s10 =	sld [smem:$0x3FB8];
	_ =	sdelay $0x3  }
0x33: {  	p0 =	seq.s32 s10, $0x1;
	s10 =	sld [smem:$0x3FBA];
	_ =	sdelay $0x3  }
0x34: {  	[smem:$0x3FBA] =	sst s10  }
0x35: {  	s10 =	sld [smem:$0x3FB9];
	_ =	sdelay $0x3  }
0x36: {  	p1 =	seq.s32 s10, $0x1;
	s10 =	sld [smem:$0x3FBA];
	_ =	sdelay $0x3  }
0x37: {  	[smem:$0x3FBA] =	sst s10  }
0x38: {  	s10 =	sld [smem:$0x3FBB]  }
0x39: {  	_ = 	snop;
	(pc) =	sbr.ind lr, $3  }
0x3a: {  	_ = 	snop  }
0x3b: {  	_ = 	snop  }
0x3c: {  	p2 =	seq.s32 s10, $0x1;
	s10 =	sld [smem:$0x3FBA]  }
0x3d: {  	_ =	shalt  }
0x3e: {  	_ =	shalt  }
0x3f: {  	_ =	shalt  }
0x40: {  	_ =	shalt  }
0x41: {  	_ =	shalt  }
0x42: {  	_ =	shalt  }
0x43: {  	_ =	shalt  }
0x44: {  	_ =	shalt  }
0x45: {  	_ =	shalt  }
0x46: {  	_ =	shalt  }
0x47: {  	_ =	shalt  }
0x48: {  	_ =	shalt  }
0x49: {  	_ =	shalt  }
0x4a: {  	_ =	shalt  }
0x4b: {  	_ =	shalt  }
0x4c: {  	_ =	shalt  }
0x4d: {  	_ =	shalt  }
0x4e: {  	_ =	shalt  }
0x4f: {  	_ =	shalt  }
0x50: {  	_ =	shalt  }
0x51: {  	_ =	shalt  }
0x52: {  	_ =	shalt  }
0x53: {  	_ =	shalt  }
0x54: {  	_ =	shalt  }
0x55: {  	_ =	shalt  }
0x56: {  	_ =	shalt  }
0x57: {  	_ =	shalt  }
0x58: {  	_ =	shalt  }
0x59: {  	_ =	shalt  }
0x5a: {  	_ =	shalt  }
0x5b: {  	_ =	shalt  }
0x5c: {  	_ =	shalt  }
0x5d: {  	_ =	shalt  }
0x5e: {  	_ =	shalt  }
0x5f: {  	_ =	shalt  }
0x60: {  	_ =	shalt  }
0x61: {  	_ =	shalt  }
0x62: {  	_ =	shalt  }
0x63: {  	_ =	shalt  }
0x64: {  	_ =	shalt  }
0x65: {  	_ =	shalt  }
0x66: {  	_ =	shalt  }
0x67: {  	_ =	shalt  }
0x68: {  	_ =	shalt  }
0x69: {  	_ =	shalt  }
0x6a: {  	_ =	shalt  }
0x6b: {  	_ =	shalt  }
0x6c: {  	_ =	shalt  }
0x6d: {  	_ =	shalt  }
0x6e: {  	_ =	shalt  }
0x6f: {  	_ =	shalt  }
0x70: {  	_ =	shalt  }
0x71: {  	_ =	shalt  }
0x72: {  	_ =	shalt  }
0x73: {  	_ =	shalt  }
0x74: {  	_ =	shalt  }
0x75: {  	_ =	shalt  }
0x76: {  	_ =	shalt  }
0x77: {  	_ =	shalt  }
0x78: {  	_ =	shalt  }
0x79: {  	_ =	shalt  }
0x7a: {  	_ =	shalt  }
0x7b: {  	_ =	shalt  }
0x7c: {  	_ =	shalt  }
0x7d: {  	_ =	shalt  }
0x7e: {  	_ =	shalt  }
0x7f: {  	_ =	shalt  }
0x80: {  	_ =	shalt  }
0x81: {  	_ =	shalt  }
0x82: {  	_ =	shalt  }
0x83: {  	_ =	shalt  }
0x84: {  	_ =	shalt  }
0x85: {  	_ =	shalt  }
0x86: {  	_ =	shalt  }
0x87: {  	_ =	shalt  }
.Lfunc_end0:
.L_simem_size_0:
called_computation_lowered:
.L_overlay_start_0:
0x88: {  	s2 =	sld [smem:$0x3FD9]  }
0x89: {  	s3 =	sld [smem:$0x3FFE];
	_ =	sdelay $0x1  }
0x8a: {  	s1 =	srdreg.scid  }
0x8b: {  	s0 =	sand.u32 $0x1, s1  }
0x8c: {  	s14 =	sshll.u32 s0, $0xA;
	s2 =	sadd.s32 s3, s2  }
0x8d: {  	s2 =	sadd.s32 s2, s14  }
0x8e: {  	[smem:$0x3FC6] =	sst s2  }
0x8f: {  	_ = 	snop  }
0x90: {  	s2 =	sld [smem:$0x3FD0];
	_ =	sdelay $0x2  }
0x91: {  	s4 =	simm.s32 $0xA;
	s5 =	simm.s32 $0x10;
	s15 =	sld [smem:$0x3FC8]  }
0x92: {  	[smem:s5], [sflag:s4] =	dma.local [hbm:s2], $0x1  }
0x93: {  	_ =	swait.eq [sflag:s4], $0x1  }
0x94: {  	s16 =	sld [smem:$0x11];
	[sflag:s4] =	ssyncset.done $0x0  }
0x95: {  	s17 =	sld [smem:$0x12];
	[sflag:s4] =	ssyncadd.s32 $0xFFFFFFFF  }
0x96: {  	s18 =	sld [smem:$0x13];
	(tm) =	ssettm $0x1  }
0x97: {  	s6 =	sld [smem:$0x3FFB];
	_ =	sdelay $0x3  }
0x98: {  	_ =	strace s6  }
0x99: {  	s6 =	sld [smem:$0x3FFC];
	_ =	sdelay $0x3  }
0x9a: {  	_ =	strace s6  }
0x9b: {  	s6 =	sld [smem:$0x3FFD];
	_ =	sdelay $0x3  }
0x9c: {  	_ =	strace s6  }
0x9d: {  	_ =	strace $0x8FFFFFFF  }
0x9e: {  	s19 =	sld [smem:$0x3FDB];
	_ =	sdelay $0x1  }
0x9f: {  	s7 =	simm.s32 $_scs_section_size  }
0xa0: {  	s8 =	simm.s32 $_size__tile_overlayer_lowered;
	s9 =	simm.s32 $_tile_overlayer_lowered  }
0xa1: {  	s22 =	simm.s32 $0x1BFF;
	s21 =	sshll.u32 s9, $0x1;
	s6 =	sadd.s32 s7, s19  }
0xa2: {  	s10 =	simm.s32 $0x0;
	s20 =	sshll.u32 s8, $0x1;
	s8 =	sadd.s32 s21, s6  }
0xa3: {  	[timem:s10], [sflag:s22] =	dma.local [hbm:s8], s20  }
0xa4: {  	_ =	swait.ge [sflag:s22], s20  }
0xa5: {  	s7 =	ssub.s32 $0x0, s20;
	[sflag:s22] =	ssyncset.done $0x0  }
0xa6: {  	[sflag:s22] =	ssyncadd.s32 s7;
	_ =	sdelay $0x1  }
0xa7: {  	s23 =	simm.s32 $0x1B8B  }
0xa8: {  	_ =	swait.ge [sflag:s23], $0x1  }
0xa9: {  	[sflag:s23] =	ssyncset.done $0x0  }
0xaa: {  	s25 =	simm.s32 $0x1B8E;
	s24 =	sld [smem:$0x3FFE];
	[sflag:s23] =	ssyncadd.s32 $0xFFFFFFFF  }
0xab: {  	s26 =	simm.s32 $execute0_lowered;
	[smem:$0x3FD2] =	sst s25  }
0xac: {  	s8 =	sshll.u32 s26, $0x1;
	_ =	strace $0x80000046;
	[dreg:$0x1] =	wrdreg $0xFFFFFFFF  }
0xad: {  	s28 =	simm.s32 $_size_execute0_lowered;
	s6 =	sadd.s32 s6, s8;
	[dreg:$0x0] =	wrdreg $0x0  }
0xae: {  	s8 =	sshll.u32 s28, $0x1;
	[dreg:$0x2] =	wrdreg s6  }
0xaf: {  	[dreg:$0x3] =	wrdreg s8  }
0xb0: {  	[dreg:$0x4] =	wrdreg $0xC0  }
0xb1: {  	_ =	task [dreg:s10], $0x5FFFF  }
0xb2: {  	[dreg:$0x1] =	wrdreg $0xFFFFFFFF  }
0xb3: {  	[dreg:$0x0] =	wrdreg $0x60  }
0xb4: {  	[dreg:$0x2] =	wrdreg s15  }
0xb5: {  	[dreg:$0x3] =	wrdreg s18  }
0xb6: {  	[dreg:$0x4] =	wrdreg s17  }
0xb7: {  	[dreg:$0x5] =	wrdreg s24  }
0xb8: {  	[dreg:$0x6] =	wrdreg s16  }
0xb9: {  	[dreg:$0x7] =	wrdreg $0x9  }
0xba: {  	_ =	task.clear_ibuf [dreg:s10], $0x8FFFF;
	_ =	strace $0x90000046  }
0xbb: {  	s29 =	simm.s32 $0x9;
	_ =	strace $0x80000048  }
0xbc: {  	_ =	swait.ge [sflag:s29], $0x1  }
0xbd: {  	[sflag:s29] =	ssyncadd.s32 $0xFFFFFFFF  }
0xbe: {  	_ =	strace $0x90000048  }
0xbf: {  	_ =	sfence  }
0xc0: {  	s30 =	sld [smem:$0x0];
	_ =	sdelay $0x2  }
0xc1: {  	s31 =	sshll.u32 s1, $0xD;
	s1 =	sshrl.u32 s1, $0x2  }
0xc2: {  	s3 =	sand.u32 $0x4000, s31;
	s1 =	sadd.s32 s1, s30  }
0xc3: {  	s0 =	sor.u32 s3, s0;
	s1 =	sshll.u32 s1, $0x11  }
0xc4: {  	s0 =	sor.u32 s1, s0  }
0xc5: {  	s0 =	sadd.s32 $0x8F2B, s0  }
0xc6: {  	[sflag:s0] =	ssyncadd.remote.s32 $0x1  }
0xc7: {  	_ =	sfence.sel $0xFFFF  }
0xc8: {  	[dreg:$0x0] =	wrdreg $0xFFFFFFFF;
	(pc) =	sbr.abs _section_cstart, $3  }
0xc9: {  	[dreg:$0x1] =	wrdreg $0xFFFFFFFF  }
0xca: {  	_ =	task.clear_ibuf [dreg:s10], $0x2FFFF;
	_ =	strace $0x9FFFFFFF  }
0xcb: {  	(tm) =	ssettm $0x7FFFFFFF  }
tec
execute0_lowered:
.L_overlay_start_1:
0x0: {  	(tag) =	ssettag $0x1  }
0x1: {  	s0 =	rddreg [dreg:$0x0]  }
0x2: {  	s2 =	rddreg [dreg:$0x1]  }
0x3: {  	s1 =	rddreg [dreg:$0x2]  }
0x4: {  	s3 =	rddreg [dreg:$0x3];
	s4 =	srdreg.scid  }
0x5: {  	s14 =	stileid.u32;
	s9 =	rddreg [dreg:$0x4];
	s12 =	simm.s32 $0x1  }
0x6: {  	s15 =	simm.s32 $0x1800;
	s16 =	simm.s32 $0x80;
	s17 =	simm.s32 $0x1900  }
0x7: {  	s18 =	simm.s32 $0x1880;
	s22 =	simm.s32 $0x60;
	s23 =	simm.s32 $0x11900  }
0x8: {  	s24 =	simm.s32 $0x2;
	s29 =	simm.s32 $0x0;
	s30 =	simm.s32 $0x0  }
0x9: {  	s7 =	sand.u32 $0x1, s4;
	s5 =	sshll.u32 s14, $0x1;
	s4 =	simm.s32 $0x0  }
0xa: {  	s6 =	sadd.s32 $0x301A00, s3;
	s10 =	sor.u32 s7, s5;
	[smem:$0x7FF] =	sst s4  }
0xb: {  	p1 =	seq.s32 s7, $0x1;
	s7 =	ssub.s32 $0x2, s7;
	s5 =	sshll.u32 s10, $0x5  }
0xc: {  	_ =	strace $0x80000047;
	p0 =	seq.s32 s10, $0x0;
	s8 =	sshll.u32 s10, $0x6  }
0xd: {  	s25 =	sshrl.u32 s7, $0x1;
	s26 =	smul.u32 $0x300, s10;
	s31 =	sshll.u32 s10, $0xC  }
0xe: {  	s11 =	sadd.s32 s5, s3;
	s5 =	sadd.s32 $0x1A00, s3;
	p0 =	por !p0, !p1  }
0xf: {  	s3 =	sadd.s32 s8, s3;
	s13 =	ssub.s32 s7, s25;
	s7 =	sshll.u32 s10, $0x8  }
0x10: {  	s8 =	simm.s32 $0x1;
	s25 =	simm.s32 $0x17900;
	p0 =	por !p0, !p0  }
0x11: {  	s1 =	sadd.s32 s1, s26;
	s28 =	sadd.s32 $0xE00, s11;
	s12 =	simm.s32 @!p0 $0x0  }
0x12: {  	s11 =	sadd.s32 s9, s31;
	s13 =	smax.u32 s13, $0x1;
	s12 =	ssub.s32 s14, s12  }
0x13: {  	s26 =	simm.s32 $0x1A900;
	[dreg:$0x6] =	wrdreg s1;
	s19 =	sshll.u32 s12, $0xB  }
0x14: {  	[dreg:$0x7] =	wrdreg s28;
	s14 =	simm.s32 $0x3;
	s12 =	sadd.s32 $0x1200, s3;
	v0 =	vmov s19  }
.LBB2_1:
0x15: {  	s1 =	rddreg [dreg:$0x6]  }
0x16: {  	[tilespmem:s4], [sflag:$0x3] =	stream.linear.gather [hbm4b:s1+s4], $0x1800, $0x38;
	[tilespmem:$0x1DB00] =	vst v63  }
0x17: {  	_ =	swait.ge [sflag:s14], $0x1800  }
0x18: {  	[sflag:s14] =	ssyncset.done $0x0  }
0x19: {  	s31 =	rddreg [dreg:$0x7];
	[sflag:s14] =	ssyncadd.s32 $0xFFFFE800  }
0x1a: {  	[tilespmem:s15], [sflag:$0x3] =	stream.linear.gather [hbm4b:s31+s4], $0x100, $0x38;
	[tilespmem:$0x1DB00] =	vst v63  }
0x1b: {  	_ =	swait.ge [sflag:s14], $0x100  }
0x1c: {  	[sflag:s14] =	ssyncset.done $0x0  }
0x1d: {  	[sflag:s14] =	ssyncadd.s32 $0xFFFFFF00  }
0x1e: {  	v1 =	vld [tilespmem:$0x1800]  }
0x1f: {  	v2 =	vld [tilespmem:$0x1810]  }
0x20: {  	v3 =	vld [tilespmem:$0x1820]  }
0x21: {  	v4 =	vld [tilespmem:$0x1830]  }
0x22: {  	v5 =	vld [tilespmem:$0x1840]  }
0x23: {  	v6 =	vld [tilespmem:$0x1850];
	v1 =	vadd.s32 v0, v1  }
0x24: {  	[tilespmem:$0x1800] =	vst v1;
	v1 =	vadd.s32 v0, v2;
	v2 =	vld [tilespmem:$0x1860]  }
0x25: {  	[tilespmem:$0x1810] =	vst v1;
	v1 =	vadd.s32 v0, v3;
	v3 =	vld [tilespmem:$0x1870]  }
0x26: {  	v58 =	vld [tilespmem:$0x1880];
	[tilespmem:$0x1820] =	vst v1;
	v1 =	vadd.s32 v0, v4  }
0x27: {  	v59 =	vld [tilespmem:$0x1890];
	[tilespmem:$0x1830] =	vst v1;
	v1 =	vadd.s32 v0, v5  }
0x28: {  	v60 =	vld [tilespmem:$0x18A0];
	[tilespmem:$0x1840] =	vst v1;
	v1 =	vadd.s32 v0, v6  }
0x29: {  	[tilespmem:$0x1850] =	vst v1;
	v1 =	vadd.s32 v0, v2;
	v2 =	vld [tilespmem:$0x18B0]  }
0x2a: {  	[tilespmem:$0x1860] =	vst v1;
	v1 =	vadd.s32 v0, v3;
	v3 =	vld [tilespmem:$0x18C0]  }
0x2b: {  	v61 =	vld [tilespmem:$0x18D0];
	[tilespmem:$0x1870] =	vst v1;
	v1 =	vadd.s32 v0, v58  }
0x2c: {  	v62 =	vld [tilespmem:$0x18E0];
	[tilespmem:$0x1880] =	vst v1;
	v1 =	vadd.s32 v0, v59  }
0x2d: {  	v63 =	vld [tilespmem:$0x18F0];
	[tilespmem:$0x1890] =	vst v1;
	v1 =	vadd.s32 v0, v60  }
0x2e: {  	[tilespmem:$0x18A0] =	vst v1;
	v1 =	vadd.s32 v0, v2  }
0x2f: {  	[tilespmem:$0x18B0] =	vst v1;
	v1 =	vadd.s32 v0, v3  }
0x30: {  	[tilespmem:$0x18C0] =	vst v1;
	v1 =	vadd.s32 v0, v61  }
0x31: {  	[tilespmem:$0x18D0] =	vst v1;
	v1 =	vadd.s32 v0, v62  }
0x32: {  	[tilespmem:$0x18E0] =	vst v1;
	v1 =	vadd.s32 v0, v63  }
0x33: {  	s3 =	simm.s32 $0x40;
	s1 =	simm.s32 $0x0;
	[tilespmem:$0x18F0] =	vst v1  }
.LBB2_2:
0x34: {  	p0 =	sne.s32 s3, $0x5FC0;
	v1 =	vld [tilespmem:s1+$0x0];
	_ =	sdelay $0x1  }
.Ltmp0:
0x35: {  	(pc) =	sbr.rel @p0 .LBB2_2-.Ltmp0, $3  }
0x36: {  	_ =	sdelay $0x1  }
0x37: {  	v1 =	vadd.s32 v0, v1  }
0x38: {  	[tilespmem:s1+$0x0] =	vst v1;
	s1 =	sshra.s32 s3, $0x2;
	s3 =	sadd.s32 $0x40, s3  }
0x39: {  	v1 =	vld [tilespmem:s1+$0x0];
	_ =	sdelay $0x4  }
0x3a: {  	v1 =	vadd.s32 v0, v1  }
0x3b: {  	[tilespmem:s1+$0x0] =	vst v1  }
0x3c: {  	[tilespmem:s17], [sflag:$0x1] =	stream.indirect.gather [hbm4b:s0+s16], $0x80, s15, s16, $0xb8;
	[tilespmem:$0x1DB00] =	vst v63  }
0x3d: {  	_ =	swait.ge [sflag:s8], $0x4000  }
0x3e: {  	[sflag:s8] =	ssyncset.done $0x0  }
0x3f: {  	s20 =	simm.s32 $0x5900;
	[sflag:s8] =	ssyncadd.s32 $0xFFFFC000  }
0x40: {  	[tilespmem:s20], [sflag:$0x1] =	stream.indirect.gather [hbm4b:s0+s16], $0x80, s18, s16, $0xb8;
	[tilespmem:$0x1DB00] =	vst v63  }
0x41: {  	_ =	swait.ge [sflag:s8], $0x4000  }
0x42: {  	[sflag:s8] =	ssyncset.done $0x0  }
0x43: {  	s21 =	simm.s32 $0x9900;
	[sflag:s8] =	ssyncadd.s32 $0xFFFFC000  }
0x44: {  	[tilespmem:s21], [sflag:$0x1] =	stream.indirect.gather [hbm4b:s2+s16], $0x80, s15, s16, $0xb8;
	[tilespmem:$0x1DB00] =	vst v63  }
0x45: {  	_ =	swait.ge [sflag:s8], $0x4000  }
0x46: {  	[sflag:s8] =	ssyncset.done $0x0  }
0x47: {  	s28 =	simm.s32 $0xD900;
	[sflag:s8] =	ssyncadd.s32 $0xFFFFC000  }
0x48: {  	[tilespmem:s28], [sflag:$0x1] =	stream.indirect.gather [hbm4b:s2+s16], $0x80, s18, s16, $0xb8;
	[tilespmem:$0x1DB00] =	vst v63  }
0x49: {  	_ =	swait.ge [sflag:s8], $0x4000  }
0x4a: {  	[sflag:s8] =	ssyncset.done $0x0  }
0x4b: {  	[sflag:s8] =	ssyncadd.s32 $0xFFFFC000  }
0x4c: {  	[hbm4b:s11+s30] =	stream.linear.scatter [tilespmem:s17], [sflag:$0x3], $0x8000, $0x38;
	[tilespmem:$0x1DB00] =	vst v63  }
0x4d: {  	_ =	swait.ge [sflag:s14], $0x8000  }
0x4e: {  	v3 =	vimm.f32 $0.0e+00;
	[sflag:s14] =	ssyncset.done $0x0  }
0x4f: {  	v2 =	vimm.f32 $0.0e+00;
	v4 =	vimm.f32 $0.0e+00;
	v5 =	vimm.f32 $0.0e+00;
	s31 =	simm.s32 $0x0;
	[sflag:s14] =	ssyncadd.s32 $0xFFFF8000  }
.LBB2_4:
0x50: {  	s1 =	smul.u32 $0x180, s31;
	_ =	sdelay $0x1  }
0x51: {  	s1 =	sshra.s32 s1, $0x2  }
0x52: {  	[tilespmem:s23], [sflag:$0x1] =	stream.indirect.gather [hbm4b:s0+s22], $0x80, s1, s22, $0xb8;
	[tilespmem:$0x1DB00] =	vst v63  }
0x53: {  	s3 =	simm.s32 $0x14900  }
0x54: {  	[tilespmem:s3], [sflag:$0x2] =	stream.indirect.gather [hbm4b:s2+s22], $0x80, s1, s22, $0xb8;
	[tilespmem:$0x1DB00] =	vst v63  }
0x55: {  	s10 =	sshll.u32 s31, $0x9;
	_ =	swait.ge [sflag:s8], $0x3000  }
0x56: {  	v1 =	vmov s10;
	[sflag:s8] =	ssyncset.done $0x0  }
0x57: {  	s19 =	smul.u32 $0xAB, s30;
	[sflag:s8] =	ssyncadd.s32 $0xFFFFD000  }
0x58: {  	_ =	swait.ge [sflag:s24], $0x3000  }
0x59: {  	s1 =	sshrl.u32 s19, $0x5;
	[sflag:s24] =	ssyncset.done $0x0  }
0x5a: {  	s1 =	sand.u32 $0x780, s1;
	[sflag:s24] =	ssyncadd.s32 $0xFFFFD000  }
0x5b: {  	s9 =	simm.s32 $0x11940;
	v6 =	vld.idx.msk [tilespmem:v1+s1+$0x1900 ss:$0x1], $0xffff  }
0x5c: {  	v7 =	vld [tilespmem:s9+$0xFFFFFFC0];
	_ =	sdelay $0x4  }
0x5d: {  	v6 =	vsub.f32 v7, v6  }
0x5e: {  	s10 =	simm.s32 $0x17940  }
0x5f: {  	[tilespmem:s10+$0xFFFFFFC0] =	vst v6  }
0x60: {  	v7 =	vld.idx.msk [tilespmem:v1+s1+$0x1910 ss:$0x1], $0xffff  }
0x61: {  	v8 =	vld [tilespmem:s9+$0xFFFFFFD0];
	_ =	sdelay $0x4  }
0x62: {  	v7 =	vsub.f32 v8, v7;
	_ =	sdelay $0x1  }
0x63: {  	[tilespmem:s10+$0xFFFFFFD0] =	vst v7  }
0x64: {  	v8 =	vld.idx.msk [tilespmem:v1+s1+$0x1920 ss:$0x1], $0xffff  }
0x65: {  	v9 =	vld [tilespmem:s9+$0xFFFFFFE0];
	_ =	sdelay $0x4  }
0x66: {  	v8 =	vsub.f32 v9, v8;
	_ =	sdelay $0x1  }
0x67: {  	[tilespmem:s10+$0xFFFFFFE0] =	vst v8  }
0x68: {  	v54 =	vld.idx.msk [tilespmem:v1+s1+$0x1930 ss:$0x1], $0xffff  }
0x69: {  	v10 =	vld [tilespmem:s9+$0xFFFFFFF0];
	_ =	sdelay $0x4  }
0x6a: {  	v9 =	vsub.f32 v10, v54;
	_ =	sdelay $0x1  }
0x6b: {  	[tilespmem:s10+$0xFFFFFFF0] =	vst v9  }
0x6c: {  	v55 =	vld.idx.msk [tilespmem:v1+s1+$0x1940 ss:$0x1], $0xffff  }
0x6d: {  	v11 =	vld [tilespmem:s9+$0x0];
	_ =	sdelay $0x4  }
0x6e: {  	v10 =	vsub.f32 v11, v55;
	_ =	sdelay $0x1  }
0x6f: {  	[tilespmem:s10+$0x0] =	vst v10  }
0x70: {  	v56 =	vld.idx.msk [tilespmem:v1+s1+$0x1950 ss:$0x1], $0xffff  }
0x71: {  	v12 =	vld [tilespmem:s9+$0x10];
	_ =	sdelay $0x4  }
0x72: {  	v11 =	vsub.f32 v12, v56;
	_ =	sdelay $0x1  }
0x73: {  	[tilespmem:s10+$0x10] =	vst v11  }
0x74: {  	v57 =	vld.idx.msk [tilespmem:v1+s1+$0x1960 ss:$0x1], $0xffff  }
0x75: {  	v13 =	vld [tilespmem:s9+$0x20];
	_ =	sdelay $0x4  }
0x76: {  	v12 =	vsub.f32 v13, v57;
	_ =	sdelay $0x1  }
0x77: {  	[tilespmem:s10+$0x20] =	vst v12  }
0x78: {  	v58 =	vld.idx.msk [tilespmem:v1+s1+$0x1970 ss:$0x1], $0xffff  }
0x79: {  	v14 =	vld [tilespmem:s9+$0x30]  }
0x7a: {  	v15 =	vmul.f32 v6, v6  }
0x7b: {  	v5 =	vadd.f32 v6, v5  }
0x7c: {  	v4 =	vadd.f32 v15, v4;
	v6 =	vmul.f32 v7, v7  }
0x7d: {  	v5 =	vadd.f32 v7, v5  }
0x7e: {  	v4 =	vadd.f32 v6, v4;
	v7 =	vmul.f32 v8, v8;
	v6 =	vsub.f32 v14, v58;
	_ =	sdelay $0x1  }
0x7f: {  	v5 =	vadd.f32 v8, v5;
	v4 =	vadd.f32 v7, v4;
	v59 =	vmul.f32 v9, v9;
	[tilespmem:s10+$0x30] =	vst v6  }
0x80: {  	v7 =	vld.idx.msk [tilespmem:v1+s1+$0x9900 ss:$0x1], $0xffff  }
0x81: {  	v5 =	vadd.f32 v9, v5;
	v4 =	vadd.f32 v59, v4;
	v8 =	vmul.f32 v10, v10;
	v60 =	vld [tilespmem:s3+$0x0];
	_ =	sdelay $0x1  }
0x82: {  	v5 =	vadd.f32 v10, v5;
	v4 =	vadd.f32 v8, v4;
	v61 =	vmul.f32 v11, v11  }
0x83: {  	s20 =	simm.s32 $0x1  }
0x84: {  	s21 =	smul.u32 $0xAB, s20;
	v5 =	vadd.f32 v11, v5;
	v4 =	vadd.f32 v61, v4;
	v8 =	vmul.f32 v12, v12  }
0x85: {  	v7 =	vsub.f32 v60, v7  }
0x86: {  	v5 =	vadd.f32 v12, v5;
	s9 =	sshrl.u32 s21, $0x5;
	v8 =	vadd.f32 v8, v4;
	v62 =	vmul.f32 v6, v6;
	s1 =	simm.s32 $0x1A900  }
0x87: {  	s21 =	sand.u32 $0x780, s9;
	[tilespmem:s1+$0x0] =	vst v7;
	v63 =	vmul.f32 v7, v7  }
0x88: {  	s19 =	simm.s32 $0x119C0;
	v4 =	vadd.f32 v6, v5;
	v5 =	vadd.f32 v62, v8;
	v6 =	vld.idx.msk [tilespmem:v1+s21+$0x1900 ss:$0x1], $0xffff  }
0x89: {  	s28 =	simm.s32 $0x2;
	s20 =	simm.s32 $0x179C0;
	v2 =	vadd.f32 v7, v2;
	v7 =	vld [tilespmem:s19+$0xFFFFFFC0];
	v3 =	vadd.f32 v63, v3  }
.LBB2_5:
0x8a: {  	s1 =	sadd.s32 $0x80, s1  }
0x8b: {  	s3 =	sadd.s32 $0x80, s3;
	s9 =	smov.u32 s28;
	s10 =	sadd.s32 $0x1, s28  }
0x8c: {  	p0 =	sne.s32 s28, $0x5F;
	_ =	sdelay $0x2  }
0x8d: {  	v6 =	vsub.f32 v7, v6;
	_ =	sdelay $0x1  }
0x8e: {  	[tilespmem:s20+$0xFFFFFFC0] =	vst v6;
	v7 =	vmul.f32 v6, v6  }
0x8f: {  	v8 =	vld.idx.msk [tilespmem:v1+s21+$0x1910 ss:$0x1], $0xffff  }
0x90: {  	v9 =	vld [tilespmem:s19+$0xFFFFFFD0];
	_ =	sdelay $0x4  }
0x91: {  	v8 =	vsub.f32 v9, v8;
	_ =	sdelay $0x1  }
0x92: {  	[tilespmem:s20+$0xFFFFFFD0] =	vst v8;
	v9 =	vmul.f32 v8, v8  }
0x93: {  	v10 =	vld.idx.msk [tilespmem:v1+s21+$0x1920 ss:$0x1], $0xffff  }
0x94: {  	v11 =	vld [tilespmem:s19+$0xFFFFFFE0];
	_ =	sdelay $0x4  }
0x95: {  	v10 =	vsub.f32 v11, v10;
	_ =	sdelay $0x1  }
0x96: {  	[tilespmem:s20+$0xFFFFFFE0] =	vst v10;
	v11 =	vmul.f32 v10, v10  }
0x97: {  	v12 =	vld.idx.msk [tilespmem:v1+s21+$0x1930 ss:$0x1], $0xffff  }
0x98: {  	v13 =	vld [tilespmem:s19+$0xFFFFFFF0];
	_ =	sdelay $0x4  }
0x99: {  	v12 =	vsub.f32 v13, v12;
	_ =	sdelay $0x1  }
0x9a: {  	[tilespmem:s20+$0xFFFFFFF0] =	vst v12;
	v13 =	vmul.f32 v12, v12  }
0x9b: {  	v14 =	vld.idx.msk [tilespmem:v1+s21+$0x1940 ss:$0x1], $0xffff  }
0x9c: {  	v15 =	vld [tilespmem:s19+$0x0];
	_ =	sdelay $0x4  }
0x9d: {  	v14 =	vsub.f32 v15, v14;
	_ =	sdelay $0x1  }
0x9e: {  	[tilespmem:s20+$0x0] =	vst v14;
	v15 =	vmul.f32 v14, v14  }
0x9f: {  	v16 =	vld.idx.msk [tilespmem:v1+s21+$0x1950 ss:$0x1], $0xffff  }
0xa0: {  	v17 =	vld [tilespmem:s19+$0x10];
	_ =	sdelay $0x4  }
0xa1: {  	v16 =	vsub.f32 v17, v16;
	_ =	sdelay $0x1  }
0xa2: {  	[tilespmem:s20+$0x10] =	vst v16;
	v17 =	vmul.f32 v16, v16  }
0xa3: {  	v18 =	vld.idx.msk [tilespmem:v1+s21+$0x1960 ss:$0x1], $0xffff  }
0xa4: {  	v19 =	vld [tilespmem:s19+$0x20];
	_ =	sdelay $0x1  }
0xa5: {  	v4 =	vadd.f32 v6, v4  }
0xa6: {  	v5 =	vadd.f32 v7, v5  }
0xa7: {  	v4 =	vadd.f32 v8, v4  }
0xa8: {  	v5 =	vadd.f32 v9, v5;
	v6 =	vsub.f32 v19, v18  }
0xa9: {  	v4 =	vadd.f32 v10, v4  }
0xaa: {  	v5 =	vadd.f32 v11, v5;
	[tilespmem:s20+$0x20] =	vst v6;
	v7 =	vmul.f32 v6, v6  }
0xab: {  	v4 =	vadd.f32 v12, v4;
	v8 =	vld.idx.msk [tilespmem:v1+s21+$0x1970 ss:$0x1], $0xffff  }
0xac: {  	v5 =	vadd.f32 v13, v5;
	v9 =	vld [tilespmem:s19+$0x30]  }
0xad: {  	v4 =	vadd.f32 v14, v4  }
0xae: {  	v5 =	vadd.f32 v15, v5  }
0xaf: {  	v4 =	vadd.f32 v16, v4  }
0xb0: {  	v5 =	vadd.f32 v17, v5  }
0xb1: {  	v4 =	vadd.f32 v6, v4;
	v6 =	vsub.f32 v9, v8;
	_ =	sdelay $0x1  }
0xb2: {  	v5 =	vadd.f32 v7, v5;
	[tilespmem:s20+$0x30] =	vst v6;
	v4 =	vadd.f32 v6, v4;
	v6 =	vmul.f32 v6, v6  }
0xb3: {  	v7 =	vld.idx.msk [tilespmem:v1+s21+$0x9900 ss:$0x1], $0xffff  }
0xb4: {  	v5 =	vadd.f32 v6, v5;
	v6 =	vld [tilespmem:s3+$0x0];
	_ =	sdelay $0x3  }
0xb5: {  	s9 =	smul.u32 $0xAB, s9  }
.Ltmp1:
0xb6: {  	v6 =	vsub.f32 v6, v7;
	(pc) =	sbr.rel @p0 .LBB2_5-.Ltmp1, $4  }
0xb7: {  	s9 =	sshrl.u32 s9, $0x5  }
0xb8: {  	s21 =	sand.u32 $0x780, s9;
	[tilespmem:s1+$0x0] =	vst v6;
	v2 =	vadd.f32 v6, v2;
	v8 =	vmul.f32 v6, v6  }
0xb9: {  	s19 =	sadd.s32 $0x80, s19;
	v6 =	vld.idx.msk [tilespmem:v1+s21+$0x1900 ss:$0x1], $0xffff  }
0xba: {  	s28 =	smov.u32 s10;
	s20 =	sadd.s32 $0x80, s20;
	v7 =	vld [tilespmem:s19+$0xFFFFFFC0];
	v3 =	vadd.f32 v8, v3  }
0xbb: {  	_ =	sdelay $0x3  }
0xbc: {  	v6 =	vsub.f32 v7, v6;
	_ =	sdelay $0x1  }
0xbd: {  	[tilespmem:s20+$0xFFFFFFC0] =	vst v6  }
0xbe: {  	v7 =	vld.idx.msk [tilespmem:v1+s21+$0x1910 ss:$0x1], $0xffff  }
0xbf: {  	v8 =	vld [tilespmem:s19+$0xFFFFFFD0];
	_ =	sdelay $0x4  }
0xc0: {  	v7 =	vsub.f32 v8, v7;
	_ =	sdelay $0x1  }
0xc1: {  	[tilespmem:s20+$0xFFFFFFD0] =	vst v7  }
0xc2: {  	v55 =	vld.idx.msk [tilespmem:v1+s21+$0x1920 ss:$0x1], $0xffff  }
0xc3: {  	v9 =	vld [tilespmem:s19+$0xFFFFFFE0];
	_ =	sdelay $0x4  }
0xc4: {  	v8 =	vsub.f32 v9, v55;
	_ =	sdelay $0x1  }
0xc5: {  	[tilespmem:s20+$0xFFFFFFE0] =	vst v8  }
0xc6: {  	v56 =	vld.idx.msk [tilespmem:v1+s21+$0x1930 ss:$0x1], $0xffff  }
0xc7: {  	v10 =	vld [tilespmem:s19+$0xFFFFFFF0];
	_ =	sdelay $0x4  }
0xc8: {  	v9 =	vsub.f32 v10, v56;
	_ =	sdelay $0x1  }
0xc9: {  	[tilespmem:s20+$0xFFFFFFF0] =	vst v9  }
0xca: {  	v57 =	vld.idx.msk [tilespmem:v1+s21+$0x1940 ss:$0x1], $0xffff  }
0xcb: {  	v11 =	vld [tilespmem:s19+$0x0];
	_ =	sdelay $0x4  }
0xcc: {  	v10 =	vsub.f32 v11, v57;
	_ =	sdelay $0x1  }
0xcd: {  	[tilespmem:s20+$0x0] =	vst v10  }
0xce: {  	v58 =	vld.idx.msk [tilespmem:v1+s21+$0x1950 ss:$0x1], $0xffff  }
0xcf: {  	v12 =	vld [tilespmem:s19+$0x10];
	_ =	sdelay $0x4  }
0xd0: {  	v11 =	vsub.f32 v12, v58;
	_ =	sdelay $0x1  }
0xd1: {  	[tilespmem:s20+$0x10] =	vst v11  }
0xd2: {  	v59 =	vld.idx.msk [tilespmem:v1+s21+$0x1960 ss:$0x1], $0xffff  }
0xd3: {  	v13 =	vld [tilespmem:s19+$0x20];
	_ =	sdelay $0x4  }
0xd4: {  	v12 =	vsub.f32 v13, v59;
	_ =	sdelay $0x1  }
0xd5: {  	[tilespmem:s20+$0x20] =	vst v12  }
0xd6: {  	v60 =	vld.idx.msk [tilespmem:v1+s21+$0x1970 ss:$0x1], $0xffff  }
0xd7: {  	v14 =	vld [tilespmem:s19+$0x30];
	_ =	sdelay $0x4  }
0xd8: {  	v13 =	vsub.f32 v14, v60;
	_ =	sdelay $0x1  }
0xd9: {  	[tilespmem:s20+$0x30] =	vst v13  }
0xda: {  	s3 =	sadd.s32 $0x80, s3;
	v61 =	vmul.f32 v6, v6;
	v1 =	vld.idx.msk [tilespmem:v1+s21+$0x9900 ss:$0x1], $0xffff  }
0xdb: {  	v4 =	vadd.f32 v6, v4;
	v6 =	vld [tilespmem:s3+$0x0]  }
0xdc: {  	v5 =	vadd.f32 v61, v5;
	v15 =	vmul.f32 v7, v7  }
0xdd: {  	v4 =	vadd.f32 v7, v4  }
0xde: {  	v5 =	vadd.f32 v15, v5;
	v62 =	vmul.f32 v8, v8;
	s20 =	sshll.u32 s31, $0x2  }
0xdf: {  	v4 =	vadd.f32 v8, v4;
	s3 =	sadd.s32 s7, s20  }
0xe0: {  	v5 =	vadd.f32 v62, v5;
	v7 =	vmul.f32 v9, v9;
	s3 =	smul.u32 $0x180, s3;
	v1 =	vsub.f32 v6, v1  }
0xe1: {  	s1 =	sadd.s32 $0x80, s1  }
0xe2: {  	v4 =	vadd.f32 v9, v4;
	v5 =	vadd.f32 v7, v5;
	s21 =	sadd.s32 s5, s3;
	v6 =	vmul.f32 v10, v10;
	[tilespmem:s1+$0x0] =	vst v1  }
0xe3: {  	[hbm4b:s21+s4] =	stream.linear.scatter [tilespmem:s25], [sflag:$0x3], $0x3000, $0x38;
	[tilespmem:$0x1DB00] =	vst v63  }
0xe4: {  	v4 =	vadd.f32 v10, v4;
	v7 =	vmul.f32 v11, v11;
	s31 =	sadd.s32 $0x1, s31;
	v5 =	vadd.f32 v6, v5;
	_ =	swait.ge [sflag:s14], $0x3000  }
0xe5: {  	p0 =	sne.s32 s31, $0x40;
	[sflag:s14] =	ssyncset.done $0x0  }
.Ltmp2:
0xe6: {  	v4 =	vadd.f32 v11, v4;
	s28 =	sadd.s32 s6, s3;
	v6 =	vmul.f32 v12, v12;
	v5 =	vadd.f32 v7, v5;
	[sflag:s14] =	ssyncadd.s32 $0xFFFFD000;
	(pc) =	sbr.rel @p0 .LBB2_4-.Ltmp2, $4  }
0xe7: {  	v63 =	vmul.f32 v1, v1;
	[hbm4b:s28+s4] =	stream.linear.scatter [tilespmem:s26], [sflag:$0x3], $0x3000, $0x38;
	[tilespmem:$0x1DB00] =	vst v63  }
0xe8: {  	v4 =	vadd.f32 v12, v4;
	v7 =	vmul.f32 v13, v13;
	v6 =	vadd.f32 v6, v5;
	_ =	swait.ge [sflag:s14], $0x3000  }
0xe9: {  	v2 =	vadd.f32 v1, v2;
	v3 =	vadd.f32 v63, v3;
	[sflag:s14] =	ssyncset.done $0x0  }
0xea: {  	v5 =	vadd.f32 v13, v4;
	v4 =	vadd.f32 v7, v6;
	[sflag:s14] =	ssyncadd.s32 $0xFFFFD000  }
0xeb: {  	[tilespmem:$0x1DA00] =	vst v2  }
0xec: {  	[tilespmem:$0x1DA80] =	vst v3;
	s29 =	sadd.s32 $0x1, s29  }
0xed: {  	[tilespmem:$0x1D900] =	vst v5;
	p0 =	sne.s32 s29, s13  }
.Ltmp3:
0xee: {  	s1 =	simm.s32 $0x1D900;
	[tilespmem:$0x1D980] =	vst v4;
	(pc) =	sbr.rel @p0 .LBB2_1-.Ltmp3, $4  }
0xef: {  	[hbm4b:s12+s4] =	stream.linear.scatter [tilespmem:s1], [sflag:$0x3], $0x200, $0x38;
	[tilespmem:$0x1DB00] =	vst v63  }
0xf0: {  	_ =	swait.ge [sflag:s14], $0x200  }
0xf1: {  	[sflag:s14] =	ssyncset.done $0x0  }
0xf2: {  	[sflag:s14] =	ssyncadd.s32 $0xFFFFFE00  }
0xf3: {  	_ =	sfence.sel $0x180000  }
0xf4: {  	[bflag:$0x0] =	sbarrier.arrive $0xFFFF  }
0xf5: {  	_ =	strace $0x90000047  }
0xf6: {  	s0 =	stileid.u32;
	[bflag:$0x2] =	sbarrier.arrive $0xFFFF  }
0xf7: {  	p0 =	sne.s32 s0, $0x0;
	s0 =	rddreg [dreg:$0x5]  }
0xf8: {  	s0 =	sadd.s32 @!p0 $0x100000, s0  }
0xf9: {  	[sflag:s0] =	ssyncadd.tile.s32 @!p0 $0x1;
	_ =	shalt  }
.Lfunc_end2:
_tile_overlayer_lowered:
.L_overlay_start_2:
0xfa: {  	(tag) =	ssettag $0x2  }
0xfb: {  	s0 =	rddreg [dreg:$0x0];
	s2 =	stileid.u32  }
0xfc: {  	s1 =	rddreg [dreg:$0x1];
	p0 =	sne.s32 s2, $0x0  }
0xfd: {  	s3 =	rddreg [dreg:$0x2];
	[bflag:$0x3] =	sbarrier.arrive $0xFFFF;
	s2 =	simm.s32 @!p0 $0x1C03  }
0xfe: {  	[timem:s3], [sflag:s2] =	dma.local @!p0 [hbm:s0], s1  }
0xff: {  	s0 =	simm.s32 @!p0 $0x3  }
0x100: {  	_ =	swait.ge @!p0 [sflag:s0], s1  }
0x101: {  	s1 =	ssub.s32 @!p0 $0x0, s1;
	[sflag:s0] =	ssyncset.done @!p0 $0x0  }
0x102: {  	[sflag:s0] =	ssyncadd.s32 @!p0 s1  }
0x103: {  	[bflag:$0x3] =	sbarrier.arrive $0xFFFF  }
0x104: {  	_ =	shalt  }

</sc_bundles>
